<compile_context>
chip_gen: v7x
topology: tpu7x:2x2x1
jax: 0.10.2.dev20260603
libtpu: 0.0.44.dev20260713+nightly
codegen_flags: <defaults>
</compile_context>

<pallas_src>
import functools

import jax
import jax.numpy as jnp
from jax import lax
from jax.experimental import pallas as pl
from jax.experimental.pallas import tpu as pltpu
from jax.experimental.pallas import tpu_sc as plsc

BF = jnp.bfloat16
F32 = jnp.float32

K_CODES = 1024
D_CODE = 256
N_IMG = 16
N_TOK = 3136
VQ_BLK = 392
B_PAD = 3328



def _quadify(y):
    ho, wo, c = y.shape
    hq, wq = ho // 2 + 2, wo // 2 + 1
    yp = jnp.pad(y, ((1, 3), (1, 1), (0, 0)))
    q = yp.reshape(hq, 2, wq, 2, c).transpose(1, 3, 0, 2, 4)
    return q.reshape(4, hq * wq, c)


GB = 1


def _mm_body(x_ref, w_ref, b_ref, o_ref, *, act, out_tr, quad_hw):
    for g in range(GB):
        acc = jnp.dot(x_ref[g], w_ref[...], preferred_element_type=F32)
        acc = acc + b_ref[...]
        if act == 'relu':
            acc = jnp.maximum(acc, 0.0)
        elif act == 'sigmoid':
            acc = jax.nn.sigmoid(acc)
        if quad_hw is not None:
            ho, wo = quad_hw
            o_ref[g] = _quadify(acc.astype(o_ref.dtype).reshape(ho, wo, -1))
        elif out_tr:
            o_ref[g] = acc.T.astype(o_ref.dtype)
        else:
            o_ref[g] = acc.astype(o_ref.dtype)


def _mm_layer(xcol, w, b, act, out_dtype, out_tr=False, quad_hw=None):
    n, p, k = xcol.shape
    _, c = w.shape
    if quad_hw is not None:
        ho, wo = quad_hw
        r = (ho // 2 + 2) * (wo // 2 + 1)
        od = (n, 4, r, c)
        out_spec = pl.BlockSpec((GB, 4, r, c), lambda i: (i, 0, 0, 0))
    else:
        od = (n, c, p) if out_tr else (n, p, c)
        out_spec = pl.BlockSpec((GB,) + od[1:], lambda i: (i, 0, 0))
    return pl.pallas_call(
        functools.partial(_mm_body, act=act, out_tr=out_tr, quad_hw=quad_hw),
        grid=(n // GB,),
        in_specs=[
            pl.BlockSpec((GB, p, k), lambda i: (i, 0, 0)),
            pl.BlockSpec((k, c), lambda i: (0, 0)),
            pl.BlockSpec((1, c), lambda i: (0, 0)),
        ],
        out_specs=out_spec,
        out_shape=jax.ShapeDtypeStruct(od, out_dtype),
    )(xcol, w, b.reshape(1, c))



def _enc_im2col(x_nhwc):
    n, h, w, c = x_nhwc.shape
    ho, wo = h // 2, w // 2
    hq, wq = ho + 1, wo + 1
    xp = jnp.pad(x_nhwc, ((0, 0), (1, 1), (1, 1), (0, 0)))
    if c == 1:
        q = xp.reshape(n, hq, 2, wq, 2).transpose(0, 2, 4, 1, 3)
        planes = [q[:, ki % 2, kj % 2,
                    ki // 2:ki // 2 + ho, kj // 2:kj // 2 + wo]
                  for ki in range(4) for kj in range(4)]
        return jnp.stack(planes, axis=-1).reshape(n, ho * wo, 16)
    q = xp.reshape(n, hq, 2, wq, 2, c).transpose(0, 2, 4, 1, 3, 5)
    planes = [q[:, ki % 2, kj % 2,
                ki // 2:ki // 2 + ho, kj // 2:kj // 2 + wo, :]
              for ki in range(4) for kj in range(4)]
    return jnp.concatenate(planes, axis=-1).reshape(n, ho * wo, 16 * c)


def _enc_w(w):
    return w.transpose(2, 3, 1, 0).reshape(-1, w.shape[0]).astype(BF)


def _dec_body(x_ref, w_ref, b_ref, o_ref, *, h, w, act, inter):
    wp = w + 2
    l = h * wp
    for g in range(GB):
        acc = None
        for di in range(3):
            for dj in range(3):
                s = di * 3 + dj
                off = di * wp + dj
                part = jnp.dot(x_ref[g, off:off + l, :], w_ref[s],
                               preferred_element_type=F32)
                acc = part if acc is None else acc + part
        acc = acc + b_ref[...]
        if act == 'relu':
            acc = jnp.maximum(acc, 0.0)
        elif act == 'sigmoid':
            acc = jax.nn.sigmoid(acc)
        if inter == 'img':
            y = acc.reshape(h, wp, 2, 2).transpose(0, 2, 1, 3)
            o_ref[g] = y.reshape(2 * h, 2 * wp)[:, :2 * w]
        elif inter:
            c = acc.shape[1] // 4
            y = acc.astype(o_ref.dtype).reshape(h, wp, 2, 2, c)
            y = y.transpose(0, 2, 1, 3, 4).reshape(2 * h, 2 * wp, c)
            o_ref[g] = y[:, :2 * w, :]
        else:
            o_ref[g] = acc.astype(o_ref.dtype)


def _dec_layer(x_nhwc, w9, b, act, out_dtype, inter=False):
    n, h, w, c = x_nhwc.shape
    wp = w + 2
    r = (h + 3) * wp
    l = h * wp
    _, _, c4 = w9.shape
    cout = c4 // 4
    xf = jnp.pad(x_nhwc, ((0, 0), (1, 2), (1, 1), (0, 0))).reshape(n, r, c)
    if inter == 'img':
        out_spec = pl.BlockSpec((GB, 2 * h, 2 * w), lambda i: (i, 0, 0))
        out_shape = jax.ShapeDtypeStruct((n, 2 * h, 2 * w), out_dtype)
    elif inter:
        out_spec = pl.BlockSpec((GB, 2 * h, 2 * w, cout),
                                lambda i: (i, 0, 0, 0))
        out_shape = jax.ShapeDtypeStruct((n, 2 * h, 2 * w, cout), out_dtype)
    else:
        out_spec = pl.BlockSpec((GB, l, c4), lambda i: (i, 0, 0))
        out_shape = jax.ShapeDtypeStruct((n, l, c4), out_dtype)
    return pl.pallas_call(
        functools.partial(_dec_body, h=h, w=w, act=act, inter=inter),
        grid=(n // GB,),
        in_specs=[
            pl.BlockSpec((GB, r, c), lambda i: (i, 0, 0)),
            pl.BlockSpec((9, c, c4), lambda i: (0, 0, 0)),
            pl.BlockSpec((1, c4), lambda i: (0, 0)),
        ],
        out_specs=out_spec,
        out_shape=out_shape,
    )(xf, w9, b.reshape(1, c4))


def _dec_post(y, h, w, cout):
    n = y.shape[0]
    y = y.reshape(n, h, w + 2, 2, 2, cout).transpose(0, 1, 3, 2, 4, 5)
    return y.reshape(n, 2 * h, 2 * (w + 2), cout)[:, :, :2 * w, :]


def _enc_quad(x_nhwc):
    n, h, w, c = x_nhwc.shape
    ho, wo = h // 2, w // 2
    hq, wq = ho + 2, wo + 1
    xp = jnp.pad(x_nhwc, ((0, 0), (1, 3), (1, 1), (0, 0)))
    q = xp.reshape(n, hq, 2, wq, 2, c).transpose(0, 2, 4, 1, 3, 5)
    return q.reshape(n, 4, hq * wq, c)


def _enc_w4(w):
    cout, cin = w.shape[0], w.shape[1]
    w6 = w.transpose(2, 3, 1, 0).reshape(2, 2, 2, 2, cin, cout)
    return w6.transpose(1, 3, 0, 2, 4, 5).reshape(4, 4, cin, cout).astype(BF)


def _enc_body(x_ref, w_ref, b_ref, o_ref, *, ho, wo, act, out_tr, quad_out):
    wq = wo + 1
    l = ho * wq
    for g in range(GB):
        cols = []
        for ki in range(4):
            for kj in range(4):
                qi = (ki % 2) * 2 + (kj % 2)
                off = (ki // 2) * wq + (kj // 2)
                cols.append(x_ref[g, qi, off:off + l, :])
        xcol = jnp.concatenate(cols, axis=1)
        acc = jnp.dot(xcol, w_ref[...], preferred_element_type=F32)
        acc = acc + b_ref[...]
        if act == 'relu':
            acc = jnp.maximum(acc, 0.0)
        c = acc.shape[1]
        y = acc.astype(o_ref.dtype).reshape(ho, wq, c)[:, :wo, :]
        if out_tr:
            o_ref[g] = y.reshape(ho * wo, c).T
        elif quad_out:
            o_ref[g] = _quadify(y)
        else:
            o_ref[g] = y


def _enc_layer(xq, ho, wo, w4a, b, act, out_dtype, out_tr=False,
               quad_out=False):
    n, _, r, c = xq.shape
    cout = w4a.shape[-1]
    if out_tr:
        out_spec = pl.BlockSpec((GB, cout, ho * wo), lambda i: (i, 0, 0))
        out_shape = jax.ShapeDtypeStruct((n, cout, ho * wo), out_dtype)
    elif quad_out:
        r2 = (ho // 2 + 2) * (wo // 2 + 1)
        out_spec = pl.BlockSpec((GB, 4, r2, cout), lambda i: (i, 0, 0, 0))
        out_shape = jax.ShapeDtypeStruct((n, 4, r2, cout), out_dtype)
    else:
        out_spec = pl.BlockSpec((GB, ho, wo, cout), lambda i: (i, 0, 0, 0))
        out_shape = jax.ShapeDtypeStruct((n, ho, wo, cout), out_dtype)
    return pl.pallas_call(
        functools.partial(_enc_body, ho=ho, wo=wo, act=act, out_tr=out_tr,
                          quad_out=quad_out),
        grid=(n // GB,),
        in_specs=[
            pl.BlockSpec((GB, 4, r, c), lambda i: (i, 0, 0, 0)),
            pl.BlockSpec((16 * c, cout), lambda i: (0, 0)),
            pl.BlockSpec((1, cout), lambda i: (0, 0)),
        ],
        out_specs=out_spec,
        out_shape=out_shape,
    )(xq, w4a, b.reshape(1, cout))


def _dec_w(dw):
    cin, cout = dw.shape[0], dw.shape[1]
    wt = jnp.flip(dw, (2, 3)).transpose(1, 0, 2, 3)
    wp = wt.transpose(2, 3, 1, 0)
    w9 = jnp.zeros((9, cin, 2, 2, cout), dw.dtype)
    for pr in (0, 1):
        for di in ((0, 1) if pr == 0 else (1, 2)):
            kh = 2 * di - pr
            for pc in (0, 1):
                for dj in ((0, 1) if pc == 0 else (1, 2)):
                    kw = 2 * dj - pc
                    w9 = w9.at[di * 3 + dj, :, pr, pc, :].set(wp[kh, kw])
    return w9.reshape(9, cin, 4 * cout).astype(BF)



def _vq_body(f32_ref, fbf_ref, embt_ref, emb_ref, idx_ref):
    f = f32_ref[0]
    m = jnp.dot(fbf_ref[0], embt_ref[...], preferred_element_type=F32)
    f2 = jnp.sum(f * f, axis=1, keepdims=True)
    e = emb_ref[...]
    e2 = jnp.sum(e * e, axis=1)[None, :]
    d = f2 + e2 - 2.0 * m
    dmin = jnp.min(d, axis=1, keepdims=True)
    col = lax.broadcasted_iota(jnp.int32, d.shape, 1)
    idx = jnp.min(jnp.where(d == dmin, col, K_CODES), axis=1)
    idx_ref[0] = idx.reshape(1, VQ_BLK)


def _vq_argmin():
    return pl.pallas_call(
        _vq_body,
        grid=(8,),
        in_specs=[
            pl.BlockSpec((1, VQ_BLK, D_CODE), lambda i: (i, 0, 0)),
            pl.BlockSpec((1, VQ_BLK, D_CODE), lambda i: (i, 0, 0)),
            pl.BlockSpec((D_CODE, K_CODES), lambda i: (0, 0)),
            pl.BlockSpec((K_CODES, D_CODE), lambda i: (0, 0)),
        ],
        out_specs=pl.BlockSpec((1, 1, VQ_BLK), lambda i: (i, 0, 0)),
        out_shape=jax.ShapeDtypeStruct((8, 1, VQ_BLK), jnp.int32),
    )


def _sc_gather_body(table_hbm, idx_hbm, out_hbm, idx_v, rows_v, sem, *, nc, bpw):
    wid = lax.axis_index("s") * nc + lax.axis_index("c")
    base = wid * bpw
    pltpu.sync_copy(idx_hbm.at[pl.ds(base, bpw)], idx_v)
    pltpu.async_copy(table_hbm.at[idx_v], rows_v, sem).wait()
    pltpu.sync_copy(rows_v, out_hbm.at[pl.ds(base, bpw)])


def _sc_gather(emb_f32, idx_pad):
    info = plsc.get_sparse_core_info()
    nc, ns = info.num_cores, info.num_subcores
    bpw = B_PAD // (nc * ns)
    k = pl.kernel(
        functools.partial(_sc_gather_body, nc=nc, bpw=bpw),
        mesh=plsc.VectorSubcoreMesh(core_axis_name="c", subcore_axis_name="s"),
        out_type=jax.ShapeDtypeStruct((B_PAD, D_CODE), F32),
        scratch_types=[
            pltpu.VMEM((bpw,), jnp.int32),
            pltpu.VMEM((bpw, D_CODE), F32),
            pltpu.SemaphoreType.DMA,
        ],
    )
    return k(emb_f32, idx_pad)


def _loss_body(q_ref, z_ref, part_ref, qn_ref):
    for g in range(GB):
        q = q_ref[g]
        dlt = q - z_ref[g]
        part_ref[g] = ((1.25 / (N_TOK * D_CODE))
                       * jnp.sum(dlt * dlt)).reshape(1, 1)
        qn_ref[g] = q.T.astype(BF)


def _loss_and_qt(qc, zc):
    return pl.pallas_call(
        _loss_body,
        grid=(N_IMG // GB,),
        in_specs=[
            pl.BlockSpec((GB, 256, 196), lambda i: (i, 0, 0)),
            pl.BlockSpec((GB, 256, 196), lambda i: (i, 0, 0)),
        ],
        out_specs=[
            pl.BlockSpec((GB, 1, 1), lambda i: (i, 0, 0)),
            pl.BlockSpec((GB, 196, 256), lambda i: (i, 0, 0)),
        ],
        out_shape=[
            jax.ShapeDtypeStruct((N_IMG, 1, 1), F32),
            jax.ShapeDtypeStruct((N_IMG, 196, 256), BF),
        ],
    )(qc, zc)



def kernel(x, w1, b1, w2, b2, w3, b3, w4, b4, emb,
           dw1, db1, dw2, db2, dw3, db3, dw4, db4):
    nhwc = lambda a: a.transpose(0, 2, 3, 1)

    h = _mm_layer(_enc_im2col(nhwc(x).astype(BF)), _enc_w(w1), b1, 'relu', BF,
                  quad_hw=(112, 112))
    h = _enc_layer(h, 56, 56, _enc_w(w2), b2, 'relu', BF, quad_out=True)
    h = _enc_layer(h, 28, 28, _enc_w(w3), b3, 'relu', BF, quad_out=True)
    zc = _enc_layer(h, 14, 14, _enc_w(w4), b4, 'none', F32,
                    out_tr=True)

    zf = zc.reshape(N_TOK, D_CODE)
    embt = emb.T.astype(BF)
    idx8 = _vq_argmin()(zf.reshape(8, VQ_BLK, D_CODE),
                        zf.astype(BF).reshape(8, VQ_BLK, D_CODE), embt, emb)
    indices = idx8.reshape(N_TOK, 1)
    idx_pad = jnp.concatenate(
        [idx8.reshape(N_TOK), jnp.zeros((B_PAD - N_TOK,), jnp.int32)])
    qf = _sc_gather(emb, idx_pad)[:N_TOK]
    parts, q_nhwc = _loss_and_qt(qf.reshape(N_IMG, 256, 196), zc)
    vq_loss = jnp.sum(parts)

    q_nhwc = q_nhwc.reshape(N_IMG, 14, 14, 256)
    h = _dec_layer(q_nhwc, _dec_w(dw1), jnp.tile(db1, 4), 'relu', BF, inter=True)
    h = _dec_layer(h, _dec_w(dw2), jnp.tile(db2, 4), 'relu', BF, inter=True)
    h = _dec_layer(h, _dec_w(dw3), jnp.tile(db3, 4), 'relu', BF, inter=True)
    y = _dec_layer(h, _dec_w(dw4), jnp.tile(db4, 4), 'sigmoid', F32,
                   inter='img')
    x_recon = y.reshape(N_IMG, 1, 224, 224)

    return (x_recon, vq_loss, indices)

# --- scband reference (transcript-rebuilt; emitter-appended) ---
"""Pipeline reference for scband-vqvae-15126874816811 (READ-ONLY COPY).

The authoritative reference and input builder live on the scoring server;
editing this copy changes nothing except your own understanding.
"""

import jax, jax.numpy as jnp
import numpy as np
from jax import lax


def conv2d(x, w, b):
    y = lax.conv_general_dilated(x, w, window_strides=(2, 2), padding=((1, 1), (1, 1)),
                                 dimension_numbers=('NCHW', 'OIHW', 'NCHW'))
    return y + b[None, :, None, None]


def deconv2d(x, w, b):
    # torch ConvTranspose2d(k=4, s=2, p=1); w is torch layout [in, out, kH, kW]
    w_t = jnp.flip(w, axis=(2, 3)).transpose(1, 0, 2, 3)  # -> [out, in, kH, kW]
    y = lax.conv_general_dilated(x, w_t, window_strides=(1, 1), padding=((2, 2), (2, 2)),
                                 lhs_dilation=(2, 2),
                                 dimension_numbers=('NCHW', 'OIHW', 'NCHW'))
    return y + b[None, :, None, None]


def setup_inputs(seed: int = 0) -> dict:
    key = jax.random.key(seed)
    ks = jax.random.split(key, 12)
    K, D = 1024, 256
    x = jax.random.normal(ks[0], (16, 1, 224, 224), dtype=jnp.float32)
    w1 = jax.random.normal(ks[1], (32, 1, 4, 4), dtype=jnp.float32) * 0.05
    b1 = jnp.zeros((32,), jnp.float32)
    w2 = jax.random.normal(ks[2], (64, 32, 4, 4), dtype=jnp.float32) * 0.05
    b2 = jnp.zeros((64,), jnp.float32)
    w3 = jax.random.normal(ks[3], (128, 64, 4, 4), dtype=jnp.float32) * 0.05
    b3 = jnp.zeros((128,), jnp.float32)
    w4 = jax.random.normal(ks[4], (256, 128, 4, 4), dtype=jnp.float32) * 0.05
    b4 = jnp.zeros((256,), jnp.float32)
    emb = jax.random.uniform(ks[5], (K, D), dtype=jnp.float32, minval=-1.0 / K, maxval=1.0 / K)
    dw1 = jax.random.normal(ks[6], (256, 128, 4, 4), dtype=jnp.float32) * 0.05
    db1 = jnp.zeros((128,), jnp.float32)
    dw2 = jax.random.normal(ks[7], (128, 64, 4, 4), dtype=jnp.float32) * 0.05
    db2 = jnp.zeros((64,), jnp.float32)
    dw3 = jax.random.normal(ks[8], (64, 32, 4, 4), dtype=jnp.float32) * 0.05
    db3 = jnp.zeros((32,), jnp.float32)
    dw4 = jax.random.normal(ks[9], (32, 1, 4, 4), dtype=jnp.float32) * 0.05
    db4 = jnp.zeros((1,), jnp.float32)
    return {'x': x, 'w1': w1, 'b1': b1, 'w2': w2, 'b2': b2, 'w3': w3, 'b3': b3,
            'w4': w4, 'b4': b4, 'emb': emb, 'dw1': dw1, 'db1': db1, 'dw2': dw2,
            'db2': db2, 'dw3': dw3, 'db3': db3, 'dw4': dw4, 'db4': db4}


def reference(x, w1, b1, w2, b2, w3, b3, w4, b4, emb,
              dw1, db1, dw2, db2, dw3, db3, dw4, db4):
    commitment_cost = 0.25
    D = emb.shape[1]
    # encoder
    z = jax.nn.relu(conv2d(x, w1, b1))
    z = jax.nn.relu(conv2d(z, w2, b2))
    z = jax.nn.relu(conv2d(z, w3, b3))
    z = conv2d(z, w4, b4)
    # vector quantizer (faithful to torch view(-1, D) on NCHW layout)
    flattened = z.reshape(-1, D)
    distances = (jnp.sum(flattened ** 2, axis=1, keepdims=True)
                 + jnp.sum(emb ** 2, axis=1)
                 - 2.0 * flattened @ emb.T)
    indices = jnp.argmin(distances, axis=1)[:, None]
    quantized = emb[indices[:, 0]].reshape(z.shape)
    e_latent_loss = jnp.mean((lax.stop_gradient(quantized) - z) ** 2)
    q_latent_loss = jnp.mean((quantized - lax.stop_gradient(z)) ** 2)
    vq_loss = q_latent_loss + commitment_cost * e_latent_loss
    # decoder
    h = jax.nn.relu(deconv2d(quantized, dw1, db1))
    h = jax.nn.relu(deconv2d(h, dw2, db2))
    h = jax.nn.relu(deconv2d(h, dw3, db3))
    x_recon = jax.nn.sigmoid(deconv2d(h, dw4, db4))
    return (x_recon, vq_loss, indices)

if __name__ == "__main__":
    import jax
    _d = setup_inputs()
    print(jax.jit(kernel)(*tuple(_d.values())))

</pallas_src>

<mosaic_0001>
#map = affine_map<(d0, d1) -> (0, 0)>
#map1 = affine_map<(d0, d1) -> (0)>
module attributes {stable_mosaic.version = 14 : i64} {
  func.func @_sc_gather_body(%arg0: i32, %arg1: i32, %arg2: memref<1024x256xf32, #tpu.memory_space<hbm>>, %arg3: memref<3328xi32, #tpu.memory_space<hbm>>, %arg4: memref<3328x256xf32, #tpu.memory_space<hbm>>, %arg5: memref<104xi32, #tpu.memory_space<vmem>>, %arg6: memref<104x256xf32, #tpu.memory_space<vmem>>, %arg7: memref<!tpu.dma_semaphore, #tpu.memory_space<semaphore_mem>>) attributes {dimension_semantics = [#tpu.dimension_semantics<core_parallel>, #tpu.dimension_semantics<subcore_parallel>], iteration_bounds = array<i64: 2, 16>, scalar_prefetch = 0 : i64, scratch_operands = 3 : i64, tpu.core_type = #tpu.core_type<sc_vector_subcore>, window_params = [{transform_indices = #map}, {transform_indices = #map1}, {transform_indices = #map}]} {
    %mul3A = arith.constant 2 : i32
    %mul3A_0 = arith.muli %arg1, %mul3A : i32
    %add3A = arith.addi %mul3A_0, %arg0 : i32
    %mul3A_1 = arith.constant 104 : i32
    %mul3A_2 = arith.muli %add3A, %mul3A_1 : i32
    "tpu.region"() ({
      %run_scoped3A = tpu.sem_alloc : memref<!tpu.dma_semaphore, #tpu.memory_space<semaphore_mem>>
      %dma_start3A_7 = tpu.memref_slice %arg3[%mul3A_2] : memref<3328xi32, #tpu.memory_space<hbm>> -> memref<104xi32, #tpu.memory_space<hbm>>
      %dma_start3A_8 = tpu.memref_slice %arg3[%mul3A_2] : memref<3328xi32, #tpu.memory_space<hbm>> -> memref<104xi32, #tpu.memory_space<hbm>>
      tpu.enqueue_dma source(%dma_start3A_8 : memref<104xi32, #tpu.memory_space<hbm>>) target(%arg5 : memref<104xi32, #tpu.memory_space<vmem>>) target_semaphore(%run_scoped3A : memref<!tpu.dma_semaphore, #tpu.memory_space<semaphore_mem>>)
      %dma_wait3A_9 = tpu.memref_slice %arg3[%mul3A_2] : memref<3328xi32, #tpu.memory_space<hbm>> -> memref<104xi32, #tpu.memory_space<hbm>>
      %dma_wait3A_10 = tpu.memref_slice %arg3[%mul3A_2] : memref<3328xi32, #tpu.memory_space<hbm>> -> memref<104xi32, #tpu.memory_space<hbm>>
      tpu.wait_dma2 semaphore(%run_scoped3A : memref<!tpu.dma_semaphore, #tpu.memory_space<semaphore_mem>>) src(%dma_wait3A_10 : memref<104xi32, #tpu.memory_space<hbm>>) dst(%arg5 : memref<104xi32, #tpu.memory_space<vmem>>)
      tpu.yield
    }) : () -> ()
    %dma_start3A = arith.constant 0 : i32
    %dma_start3A_3 = arith.constant 0 : i32
    %dma_start3A_4 = tpu.memref_slice %arg2[%dma_start3A, %dma_start3A_3] : memref<1024x256xf32, #tpu.memory_space<hbm>> -> memref<1024x256xf32, #tpu.memory_space<hbm>>
    tpu.enqueue_indirect_dma source(%dma_start3A_4 : memref<1024x256xf32, #tpu.memory_space<hbm>>) target(%arg6 : memref<104x256xf32, #tpu.memory_space<vmem>>) offsets(%arg5 : memref<104xi32, #tpu.memory_space<vmem>>) semaphore(%arg7 : memref<!tpu.dma_semaphore, #tpu.memory_space<semaphore_mem>>)
    %dma_wait3A = arith.constant 0 : i32
    %dma_wait3A_5 = arith.constant 0 : i32
    %dma_wait3A_6 = tpu.memref_slice %arg2[%dma_wait3A, %dma_wait3A_5] : memref<1024x256xf32, #tpu.memory_space<hbm>> -> memref<1024x256xf32, #tpu.memory_space<hbm>>
    tpu.wait_indirect_dma semaphore(%arg7 : memref<!tpu.dma_semaphore, #tpu.memory_space<semaphore_mem>>) src(%dma_wait3A_6 : memref<1024x256xf32, #tpu.memory_space<hbm>>) dst(%arg6 : memref<104x256xf32, #tpu.memory_space<vmem>>)
    "tpu.region"() ({
      %run_scoped3A = tpu.sem_alloc : memref<!tpu.dma_semaphore, #tpu.memory_space<semaphore_mem>>
      %dma_start3A_7 = arith.constant 0 : i32
      %dma_start3A_8 = tpu.memref_slice %arg4[%mul3A_2, %dma_start3A_7] : memref<3328x256xf32, #tpu.memory_space<hbm>> -> memref<104x256xf32, #tpu.memory_space<hbm>>
      %dma_start3A_9 = arith.constant 0 : i32
      %dma_start3A_10 = tpu.memref_slice %arg4[%mul3A_2, %dma_start3A_9] : memref<3328x256xf32, #tpu.memory_space<hbm>> -> memref<104x256xf32, #tpu.memory_space<hbm>>
      tpu.enqueue_dma source(%arg6 : memref<104x256xf32, #tpu.memory_space<vmem>>) target(%dma_start3A_10 : memref<104x256xf32, #tpu.memory_space<hbm>>) target_semaphore(%run_scoped3A : memref<!tpu.dma_semaphore, #tpu.memory_space<semaphore_mem>>)
      %dma_wait3A_11 = arith.constant 0 : i32
      %dma_wait3A_12 = tpu.memref_slice %arg4[%mul3A_2, %dma_wait3A_11] : memref<3328x256xf32, #tpu.memory_space<hbm>> -> memref<104x256xf32, #tpu.memory_space<hbm>>
      %dma_wait3A_13 = arith.constant 0 : i32
      %dma_wait3A_14 = tpu.memref_slice %arg4[%mul3A_2, %dma_wait3A_13] : memref<3328x256xf32, #tpu.memory_space<hbm>> -> memref<104x256xf32, #tpu.memory_space<hbm>>
      tpu.wait_dma2 semaphore(%run_scoped3A : memref<!tpu.dma_semaphore, #tpu.memory_space<semaphore_mem>>) src(%arg6 : memref<104x256xf32, #tpu.memory_space<vmem>>) dst(%dma_wait3A_14 : memref<104x256xf32, #tpu.memory_space<hbm>>)
      tpu.yield
    }) : () -> ()
    return
  }
}

module attributes {stable_mosaic.version = 14 : i64} {
  func.func @_mm_body(%arg0: i32, %arg1: memref<1x12544x16xbf16, #tpu.memory_space<vmem>>, %arg2: memref<16x32xbf16, #tpu.memory_space<vmem>>, %arg3: memref<1x32xf32, #tpu.memory_space<vmem>>, %arg4: memref<1x4x3306x32xbf16, #tpu.memory_space<vmem>>) attributes {dimension_semantics = [#tpu.dimension_semantics<arbitrary>], iteration_bounds = array<i64: 16>, scalar_prefetch = 0 : i64, scratch_operands = 0 : i64, tpu.core_type = #tpu.core_type<tc>, window_params = [{transform_indices = @transform_0, window_bounds = array<i64: 1, 12544, 16>}, {pipeline_mode = #tpu.pipeline_mode<synchronous>, transform_indices = @transform_1, window_bounds = array<i64: 16, 32>}, {pipeline_mode = #tpu.pipeline_mode<synchronous>, transform_indices = @transform_2, window_bounds = array<i64: 1, 32>}, {transform_indices = @transform_3, window_bounds = array<i64: 1, 4, 3306, 32>}]} {
    %get3A = arith.constant 0 : index
    %get3A_0 = arith.constant 0 : index
    %get3A_1 = arith.constant 0 : index
    %get3A_2 = vector.load %arg1[%get3A, %get3A_0, %get3A_1] : memref<1x12544x16xbf16, #tpu.memory_space<vmem>>, vector<1x12544x16xbf16>
    %get3A_3 = vector.shape_cast %get3A_2 : vector<1x12544x16xbf16> to vector<12544x16xbf16>
    %get3A_4 = arith.constant 0 : index
    %get3A_5 = arith.constant 0 : index
    %get3A_6 = vector.load %arg2[%get3A_4, %get3A_5] : memref<16x32xbf16, #tpu.memory_space<vmem>>, vector<16x32xbf16>
    %dot_general3A = arith.constant dense<0.000000e+00> : vector<12544x32xf32>
    %dot_general3A_7 = tpu.matmul %get3A_3, %get3A_6, %dot_general3A {dimension_numbers = #tpu.dot_dimension_numbers<[1], [0], [0], [1], [0, 0, 1, 1], [], []>, transpose_lhs_hint = false} : vector<12544x16xbf16>, vector<16x32xbf16>, vector<12544x32xf32> -> vector<12544x32xf32>
    %get3A_8 = arith.constant 0 : index
    %get3A_9 = arith.constant 0 : index
    %get3A_10 = vector.load %arg3[%get3A_8, %get3A_9] : memref<1x32xf32, #tpu.memory_space<vmem>>, vector<1x32xf32>
    %add3A = vector.broadcast %get3A_10 : vector<1x32xf32> to vector<12544x32xf32>
    %add3A_11 = arith.addf %dot_general3A_7, %add3A : vector<12544x32xf32>
    %max3A = arith.constant 0.000000e+00 : f32
    %max3A_12 = vector.broadcast %max3A : f32 to vector<12544x32xf32>
    %max3A_13 = arith.maximumf %add3A_11, %max3A_12 : vector<12544x32xf32>
    %convert_element_type3A = arith.truncf %max3A_13 : vector<12544x32xf32> to vector<12544x32xbf16>
    %reshape3A = vector.shape_cast %convert_element_type3A : vector<12544x32xbf16> to vector<112x112x32xbf16>
    %jit3A = arith.constant 0 : i32
    %convert_element_type3A_14 = arith.sitofp %jit3A : i32 to bf16
    %pad3A = vector.broadcast %convert_element_type3A_14 : bf16 to vector<1x112x32xbf16>
    %pad3A_15 = tpu.concatenate %pad3A, %reshape3A in 0 : vector<1x112x32xbf16>, vector<112x112x32xbf16> -> vector<113x112x32xbf16>
    %pad3A_16 = vector.broadcast %convert_element_type3A_14 : bf16 to vector<3x112x32xbf16>
    %pad3A_17 = tpu.concatenate %pad3A_15, %pad3A_16 in 0 : vector<113x112x32xbf16>, vector<3x112x32xbf16> -> vector<116x112x32xbf16>
    %pad3A_18 = vector.broadcast %convert_element_type3A_14 : bf16 to vector<116x1x32xbf16>
    %pad3A_19 = tpu.concatenate %pad3A_18, %pad3A_17 in 1 : vector<116x1x32xbf16>, vector<116x112x32xbf16> -> vector<116x113x32xbf16>
    %pad3A_20 = vector.broadcast %convert_element_type3A_14 : bf16 to vector<116x1x32xbf16>
    %pad3A_21 = tpu.concatenate %pad3A_19, %pad3A_20 in 1 : vector<116x113x32xbf16>, vector<116x1x32xbf16> -> vector<116x114x32xbf16>
    %reshape3A_22 = vector.shape_cast %pad3A_21 : vector<116x114x32xbf16> to vector<58x2x57x2x32xbf16>
    %transpose3A = tpu.transpose %reshape3A_22, [1, 3, 0, 2, 4] : vector<58x2x57x2x32xbf16> -> vector<2x2x58x57x32xbf16>
    %reshape3A_23 = vector.shape_cast %transpose3A : vector<2x2x58x57x32xbf16> to vector<4x3306x32xbf16>
    %swap3A = arith.constant 0 : index
    %swap3A_24 = arith.constant 0 : index
    %swap3A_25 = arith.constant 0 : index
    %swap3A_26 = arith.constant 0 : index
    %swap3A_27 = vector.load %arg4[%swap3A, %swap3A_24, %swap3A_25, %swap3A_26] : memref<1x4x3306x32xbf16, #tpu.memory_space<vmem>>, vector<1x4x3306x32xbf16>
    %swap3A_28 = vector.shape_cast %swap3A_27 : vector<1x4x3306x32xbf16> to vector<4x3306x32xbf16>
    %swap3A_29 = vector.shape_cast %reshape3A_23 : vector<4x3306x32xbf16> to vector<1x4x3306x32xbf16>
    tpu.vector_store %arg4[%swap3A, %swap3A_24, %swap3A_25, %swap3A_26], %swap3A_29 {strides = array<i32>} : memref<1x4x3306x32xbf16, #tpu.memory_space<vmem>>, vector<1x4x3306x32xbf16>,
    return
  }
  func.func @transform_0(%arg0: i32) -> (i32, i32, i32) {
    %c0_i32 = arith.constant 0 : i32
    %c0_i32_0 = arith.constant 0 : i32
    %c0_i32_1 = arith.constant 0 : i32
    return %arg0, %c0_i32, %c0_i32_0 : i32, i32, i32
  }
  func.func @transform_1(%arg0: i32) -> (i32, i32) {
    %c0_i32 = arith.constant 0 : i32
    %c0_i32_0 = arith.constant 0 : i32
    %c0_i32_1 = arith.constant 0 : i32
    return %c0_i32, %c0_i32_0 : i32, i32
  }
  func.func @transform_2(%arg0: i32) -> (i32, i32) {
    %c0_i32 = arith.constant 0 : i32
    %c0_i32_0 = arith.constant 0 : i32
    %c0_i32_1 = arith.constant 0 : i32
    return %c0_i32, %c0_i32_0 : i32, i32
  }
  func.func @transform_3(%arg0: i32) -> (i32, i32, i32, i32) {
    %c0_i32 = arith.constant 0 : i32
    %c0_i32_0 = arith.constant 0 : i32
    %c0_i32_1 = arith.constant 0 : i32
    %c0_i32_2 = arith.constant 0 : i32
    return %arg0, %c0_i32, %c0_i32_0, %c0_i32_1 : i32, i32, i32, i32
  }
}

module attributes {stable_mosaic.version = 14 : i64} {
  func.func @_enc_body(%arg0: i32, %arg1: memref<1x4x3306x32xbf16, #tpu.memory_space<vmem>>, %arg2: memref<512x64xbf16, #tpu.memory_space<vmem>>, %arg3: memref<1x64xf32, #tpu.memory_space<vmem>>, %arg4: memref<1x4x870x64xbf16, #tpu.memory_space<vmem>>) attributes {dimension_semantics = [#tpu.dimension_semantics<arbitrary>], iteration_bounds = array<i64: 16>, scalar_prefetch = 0 : i64, scratch_operands = 0 : i64, tpu.core_type = #tpu.core_type<tc>, window_params = [{transform_indices = @transform_0, window_bounds = array<i64: 1, 4, 3306, 32>}, {pipeline_mode = #tpu.pipeline_mode<synchronous>, transform_indices = @transform_1, window_bounds = array<i64: 512, 64>}, {pipeline_mode = #tpu.pipeline_mode<synchronous>, transform_indices = @transform_2, window_bounds = array<i64: 1, 64>}, {transform_indices = @transform_3, window_bounds = array<i64: 1, 4, 870, 64>}]} {
    %get3A = arith.constant 0 : index
    %get3A_0 = arith.constant 0 : index
    %get3A_1 = arith.constant 0 : index
    %get3A_2 = arith.constant 0 : index
    %get3A_3 = vector.load %arg1[%get3A, %get3A_0, %get3A_1, %get3A_2] : memref<1x4x3306x32xbf16, #tpu.memory_space<vmem>>, vector<1x1x3192x32xbf16>
    %get3A_4 = vector.shape_cast %get3A_3 : vector<1x1x3192x32xbf16> to vector<3192x32xbf16>
    %get3A_5 = arith.constant 0 : index
    %get3A_6 = arith.constant 1 : index
    %get3A_7 = arith.constant 0 : index
    %get3A_8 = arith.constant 0 : index
    %get3A_9 = vector.load %arg1[%get3A_5, %get3A_6, %get3A_7, %get3A_8] : memref<1x4x3306x32xbf16, #tpu.memory_space<vmem>>, vector<1x1x3192x32xbf16>
    %get3A_10 = vector.shape_cast %get3A_9 : vector<1x1x3192x32xbf16> to vector<3192x32xbf16>
    %get3A_11 = arith.constant 0 : index
    %get3A_12 = arith.constant 0 : index
    %get3A_13 = arith.constant 1 : index
    %get3A_14 = arith.constant 0 : index
    %get3A_15 = vector.load %arg1[%get3A_11, %get3A_12, %get3A_13, %get3A_14] : memref<1x4x3306x32xbf16, #tpu.memory_space<vmem>>, vector<1x1x3192x32xbf16>
    %get3A_16 = vector.shape_cast %get3A_15 : vector<1x1x3192x32xbf16> to vector<3192x32xbf16>
    %get3A_17 = arith.constant 0 : index
    %get3A_18 = arith.constant 1 : index
    %get3A_19 = arith.constant 1 : index
    %get3A_20 = arith.constant 0 : index
    %get3A_21 = vector.load %arg1[%get3A_17, %get3A_18, %get3A_19, %get3A_20] : memref<1x4x3306x32xbf16, #tpu.memory_space<vmem>>, vector<1x1x3192x32xbf16>
    %get3A_22 = vector.shape_cast %get3A_21 : vector<1x1x3192x32xbf16> to vector<3192x32xbf16>
    %get3A_23 = arith.constant 0 : index
    %get3A_24 = arith.constant 2 : index
    %get3A_25 = arith.constant 0 : index
    %get3A_26 = arith.constant 0 : index
    %get3A_27 = vector.load %arg1[%get3A_23, %get3A_24, %get3A_25, %get3A_26] : memref<1x4x3306x32xbf16, #tpu.memory_space<vmem>>, vector<1x1x3192x32xbf16>
    %get3A_28 = vector.shape_cast %get3A_27 : vector<1x1x3192x32xbf16> to vector<3192x32xbf16>
    %get3A_29 = arith.constant 0 : index
    %get3A_30 = arith.constant 3 : index
    %get3A_31 = arith.constant 0 : index
    %get3A_32 = arith.constant 0 : index
    %get3A_33 = vector.load %arg1[%get3A_29, %get3A_30, %get3A_31, %get3A_32] : memref<1x4x3306x32xbf16, #tpu.memory_space<vmem>>, vector<1x1x3192x32xbf16>
    %get3A_34 = vector.shape_cast %get3A_33 : vector<1x1x3192x32xbf16> to vector<3192x32xbf16>
    %get3A_35 = arith.constant 0 : index
    %get3A_36 = arith.constant 2 : index
    %get3A_37 = arith.constant 1 : index
    %get3A_38 = arith.constant 0 : index
    %get3A_39 = vector.load %arg1[%get3A_35, %get3A_36, %get3A_37, %get3A_38] : memref<1x4x3306x32xbf16, #tpu.memory_space<vmem>>, vector<1x1x3192x32xbf16>
    %get3A_40 = vector.shape_cast %get3A_39 : vector<1x1x3192x32xbf16> to vector<3192x32xbf16>
    %get3A_41 = arith.constant 0 : index
    %get3A_42 = arith.constant 3 : index
    %get3A_43 = arith.constant 1 : index
    %get3A_44 = arith.constant 0 : index
    %get3A_45 = vector.load %arg1[%get3A_41, %get3A_42, %get3A_43, %get3A_44] : memref<1x4x3306x32xbf16, #tpu.memory_space<vmem>>, vector<1x1x3192x32xbf16>
    %get3A_46 = vector.shape_cast %get3A_45 : vector<1x1x3192x32xbf16> to vector<3192x32xbf16>
    %get3A_47 = arith.constant 0 : index
    %get3A_48 = arith.constant 0 : index
    %get3A_49 = arith.constant 57 : index
    %get3A_50 = arith.constant 0 : index
    %get3A_51 = vector.load %arg1[%get3A_47, %get3A_48, %get3A_49, %get3A_50] : memref<1x4x3306x32xbf16, #tpu.memory_space<vmem>>, vector<1x1x3192x32xbf16>
    %get3A_52 = vector.shape_cast %get3A_51 : vector<1x1x3192x32xbf16> to vector<3192x32xbf16>
    %get3A_53 = arith.constant 0 : index
    %get3A_54 = arith.constant 1 : index
    %get3A_55 = arith.constant 57 : index
    %get3A_56 = arith.constant 0 : index
    %get3A_57 = vector.load %arg1[%get3A_53, %get3A_54, %get3A_55, %get3A_56] : memref<1x4x3306x32xbf16, #tpu.memory_space<vmem>>, vector<1x1x3192x32xbf16>
    %get3A_58 = vector.shape_cast %get3A_57 : vector<1x1x3192x32xbf16> to vector<3192x32xbf16>
    %get3A_59 = arith.constant 0 : index
    %get3A_60 = arith.constant 0 : index
    %get3A_61 = arith.constant 58 : index
    %get3A_62 = arith.constant 0 : index
    %get3A_63 = vector.load %arg1[%get3A_59, %get3A_60, %get3A_61, %get3A_62] : memref<1x4x3306x32xbf16, #tpu.memory_space<vmem>>, vector<1x1x3192x32xbf16>
    %get3A_64 = vector.shape_cast %get3A_63 : vector<1x1x3192x32xbf16> to vector<3192x32xbf16>
    %get3A_65 = arith.constant 0 : index
    %get3A_66 = arith.constant 1 : index
    %get3A_67 = arith.constant 58 : index
    %get3A_68 = arith.constant 0 : index
    %get3A_69 = vector.load %arg1[%get3A_65, %get3A_66, %get3A_67, %get3A_68] : memref<1x4x3306x32xbf16, #tpu.memory_space<vmem>>, vector<1x1x3192x32xbf16>
    %get3A_70 = vector.shape_cast %get3A_69 : vector<1x1x3192x32xbf16> to vector<3192x32xbf16>
    %get3A_71 = arith.constant 0 : index
    %get3A_72 = arith.constant 2 : index
    %get3A_73 = arith.constant 57 : index
    %get3A_74 = arith.constant 0 : index
    %get3A_75 = vector.load %arg1[%get3A_71, %get3A_72, %get3A_73, %get3A_74] : memref<1x4x3306x32xbf16, #tpu.memory_space<vmem>>, vector<1x1x3192x32xbf16>
    %get3A_76 = vector.shape_cast %get3A_75 : vector<1x1x3192x32xbf16> to vector<3192x32xbf16>
    %get3A_77 = arith.constant 0 : index
    %get3A_78 = arith.constant 3 : index
    %get3A_79 = arith.constant 57 : index
    %get3A_80 = arith.constant 0 : index
    %get3A_81 = vector.load %arg1[%get3A_77, %get3A_78, %get3A_79, %get3A_80] : memref<1x4x3306x32xbf16, #tpu.memory_space<vmem>>, vector<1x1x3192x32xbf16>
    %get3A_82 = vector.shape_cast %get3A_81 : vector<1x1x3192x32xbf16> to vector<3192x32xbf16>
    %get3A_83 = arith.constant 0 : index
    %get3A_84 = arith.constant 2 : index
    %get3A_85 = arith.constant 58 : index
    %get3A_86 = arith.constant 0 : index
    %get3A_87 = vector.load %arg1[%get3A_83, %get3A_84, %get3A_85, %get3A_86] : memref<1x4x3306x32xbf16, #tpu.memory_space<vmem>>, vector<1x1x3192x32xbf16>
    %get3A_88 = vector.shape_cast %get3A_87 : vector<1x1x3192x32xbf16> to vector<3192x32xbf16>
    %get3A_89 = arith.constant 0 : index
    %get3A_90 = arith.constant 3 : index
    %get3A_91 = arith.constant 58 : index
    %get3A_92 = arith.constant 0 : index
    %get3A_93 = vector.load %arg1[%get3A_89, %get3A_90, %get3A_91, %get3A_92] : memref<1x4x3306x32xbf16, #tpu.memory_space<vmem>>, vector<1x1x3192x32xbf16>
    %get3A_94 = vector.shape_cast %get3A_93 : vector<1x1x3192x32xbf16> to vector<3192x32xbf16>
    %concatenate3A = tpu.concatenate %get3A_4, %get3A_10, %get3A_16, %get3A_22, %get3A_28, %get3A_34, %get3A_40, %get3A_46, %get3A_52, %get3A_58, %get3A_64, %get3A_70, %get3A_76, %get3A_82, %get3A_88, %get3A_94 in 1 : vector<3192x32xbf16>, vector<3192x32xbf16>, vector<3192x32xbf16>, vector<3192x32xbf16>, vector<3192x32xbf16>, vector<3192x32xbf16>, vector<3192x32xbf16>, vector<3192x32xbf16>, vector<3192x32xbf16>, vector<3192x32xbf16>, vector<3192x32xbf16>, vector<3192x32xbf16>, vector<3192x32xbf16>, vector<3192x32xbf16>, vector<3192x32xbf16>, vector<3192x32xbf16> -> vector<3192x512xbf16>
    %get3A_95 = arith.constant 0 : index
    %get3A_96 = arith.constant 0 : index
    %get3A_97 = vector.load %arg2[%get3A_95, %get3A_96] : memref<512x64xbf16, #tpu.memory_space<vmem>>, vector<512x64xbf16>
    %dot_general3A = arith.constant dense<0.000000e+00> : vector<3192x64xf32>
    %dot_general3A_98 = tpu.matmul %concatenate3A, %get3A_97, %dot_general3A {dimension_numbers = #tpu.dot_dimension_numbers<[1], [0], [0], [1], [0, 0, 1, 1], [], []>, transpose_lhs_hint = false} : vector<3192x512xbf16>, vector<512x64xbf16>, vector<3192x64xf32> -> vector<3192x64xf32>
    %get3A_99 = arith.constant 0 : index
    %get3A_100 = arith.constant 0 : index
    %get3A_101 = vector.load %arg3[%get3A_99, %get3A_100] : memref<1x64xf32, #tpu.memory_space<vmem>>, vector<1x64xf32>
    %add3A = vector.broadcast %get3A_101 : vector<1x64xf32> to vector<3192x64xf32>
    %add3A_102 = arith.addf %dot_general3A_98, %add3A : vector<3192x64xf32>
    %max3A = arith.constant 0.000000e+00 : f32
    %max3A_103 = vector.broadcast %max3A : f32 to vector<3192x64xf32>
    %max3A_104 = arith.maximumf %add3A_102, %max3A_103 : vector<3192x64xf32>
    %convert_element_type3A = arith.truncf %max3A_104 : vector<3192x64xf32> to vector<3192x64xbf16>
    %reshape3A = vector.shape_cast %convert_element_type3A : vector<3192x64xbf16> to vector<56x57x64xbf16>
    %slice3A = vector.extract_strided_slice %reshape3A {offsets = [0, 0, 0], sizes = [56, 56, 64], strides = [1, 1, 1]} : vector<56x57x64xbf16> to vector<56x56x64xbf16>
    %jit3A = arith.constant 0 : i32
    %convert_element_type3A_105 = arith.sitofp %jit3A : i32 to bf16
    %pad3A = vector.broadcast %convert_element_type3A_105 : bf16 to vector<1x56x64xbf16>
    %pad3A_106 = tpu.concatenate %pad3A, %slice3A in 0 : vector<1x56x64xbf16>, vector<56x56x64xbf16> -> vector<57x56x64xbf16>
    %pad3A_107 = vector.broadcast %convert_element_type3A_105 : bf16 to vector<3x56x64xbf16>
    %pad3A_108 = tpu.concatenate %pad3A_106, %pad3A_107 in 0 : vector<57x56x64xbf16>, vector<3x56x64xbf16> -> vector<60x56x64xbf16>
    %pad3A_109 = vector.broadcast %convert_element_type3A_105 : bf16 to vector<60x1x64xbf16>
    %pad3A_110 = tpu.concatenate %pad3A_109, %pad3A_108 in 1 : vector<60x1x64xbf16>, vector<60x56x64xbf16> -> vector<60x57x64xbf16>
    %pad3A_111 = vector.broadcast %convert_element_type3A_105 : bf16 to vector<60x1x64xbf16>
    %pad3A_112 = tpu.concatenate %pad3A_110, %pad3A_111 in 1 : vector<60x57x64xbf16>, vector<60x1x64xbf16> -> vector<60x58x64xbf16>
    %reshape3A_113 = vector.shape_cast %pad3A_112 : vector<60x58x64xbf16> to vector<30x2x29x2x64xbf16>
    %transpose3A = tpu.transpose %reshape3A_113, [1, 3, 0, 2, 4] : vector<30x2x29x2x64xbf16> -> vector<2x2x30x29x64xbf16>
    %reshape3A_114 = vector.shape_cast %transpose3A : vector<2x2x30x29x64xbf16> to vector<4x870x64xbf16>
    %swap3A = arith.constant 0 : index
    %swap3A_115 = arith.constant 0 : index
    %swap3A_116 = arith.constant 0 : index
    %swap3A_117 = arith.constant 0 : index
    %swap3A_118 = vector.load %arg4[%swap3A, %swap3A_115, %swap3A_116, %swap3A_117] : memref<1x4x870x64xbf16, #tpu.memory_space<vmem>>, vector<1x4x870x64xbf16>
    %swap3A_119 = vector.shape_cast %swap3A_118 : vector<1x4x870x64xbf16> to vector<4x870x64xbf16>
    %swap3A_120 = vector.shape_cast %reshape3A_114 : vector<4x870x64xbf16> to vector<1x4x870x64xbf16>
    tpu.vector_store %arg4[%swap3A, %swap3A_115, %swap3A_116, %swap3A_117], %swap3A_120 {strides = array<i32>} : memref<1x4x870x64xbf16, #tpu.memory_space<vmem>>, vector<1x4x870x64xbf16>,
    return
  }
  func.func @transform_0(%arg0: i32) -> (i32, i32, i32, i32) {
    %c0_i32 = arith.constant 0 : i32
    %c0_i32_0 = arith.constant 0 : i32
    %c0_i32_1 = arith.constant 0 : i32
    %c0_i32_2 = arith.constant 0 : i32
    return %arg0, %c0_i32, %c0_i32_0, %c0_i32_1 : i32, i32, i32, i32
  }
  func.func @transform_1(%arg0: i32) -> (i32, i32) {
    %c0_i32 = arith.constant 0 : i32
    %c0_i32_0 = arith.constant 0 : i32
    %c0_i32_1 = arith.constant 0 : i32
    return %c0_i32, %c0_i32_0 : i32, i32
  }
  func.func @transform_2(%arg0: i32) -> (i32, i32) {
    %c0_i32 = arith.constant 0 : i32
    %c0_i32_0 = arith.constant 0 : i32
    %c0_i32_1 = arith.constant 0 : i32
    return %c0_i32, %c0_i32_0 : i32, i32
  }
  func.func @transform_3(%arg0: i32) -> (i32, i32, i32, i32) {
    %c0_i32 = arith.constant 0 : i32
    %c0_i32_0 = arith.constant 0 : i32
    %c0_i32_1 = arith.constant 0 : i32
    %c0_i32_2 = arith.constant 0 : i32
    return %arg0, %c0_i32, %c0_i32_0, %c0_i32_1 : i32, i32, i32, i32
  }
}

module attributes {stable_mosaic.version = 14 : i64} {
  func.func @_enc_body(%arg0: i32, %arg1: memref<1x4x870x64xbf16, #tpu.memory_space<vmem>>, %arg2: memref<1024x128xbf16, #tpu.memory_space<vmem>>, %arg3: memref<1x128xf32, #tpu.memory_space<vmem>>, %arg4: memref<1x4x240x128xbf16, #tpu.memory_space<vmem>>) attributes {dimension_semantics = [#tpu.dimension_semantics<arbitrary>], iteration_bounds = array<i64: 16>, scalar_prefetch = 0 : i64, scratch_operands = 0 : i64, tpu.core_type = #tpu.core_type<tc>, window_params = [{transform_indices = @transform_0, window_bounds = array<i64: 1, 4, 870, 64>}, {pipeline_mode = #tpu.pipeline_mode<synchronous>, transform_indices = @transform_1, window_bounds = array<i64: 1024, 128>}, {pipeline_mode = #tpu.pipeline_mode<synchronous>, transform_indices = @transform_2, window_bounds = array<i64: 1, 128>}, {transform_indices = @transform_3, window_bounds = array<i64: 1, 4, 240, 128>}]} {
    %get3A = arith.constant 0 : index
    %get3A_0 = arith.constant 0 : index
    %get3A_1 = arith.constant 0 : index
    %get3A_2 = arith.constant 0 : index
    %get3A_3 = vector.load %arg1[%get3A, %get3A_0, %get3A_1, %get3A_2] : memref<1x4x870x64xbf16, #tpu.memory_space<vmem>>, vector<1x1x812x64xbf16>
    %get3A_4 = vector.shape_cast %get3A_3 : vector<1x1x812x64xbf16> to vector<812x64xbf16>
    %get3A_5 = arith.constant 0 : index
    %get3A_6 = arith.constant 1 : index
    %get3A_7 = arith.constant 0 : index
    %get3A_8 = arith.constant 0 : index
    %get3A_9 = vector.load %arg1[%get3A_5, %get3A_6, %get3A_7, %get3A_8] : memref<1x4x870x64xbf16, #tpu.memory_space<vmem>>, vector<1x1x812x64xbf16>
    %get3A_10 = vector.shape_cast %get3A_9 : vector<1x1x812x64xbf16> to vector<812x64xbf16>
    %get3A_11 = arith.constant 0 : index
    %get3A_12 = arith.constant 0 : index
    %get3A_13 = arith.constant 1 : index
    %get3A_14 = arith.constant 0 : index
    %get3A_15 = vector.load %arg1[%get3A_11, %get3A_12, %get3A_13, %get3A_14] : memref<1x4x870x64xbf16, #tpu.memory_space<vmem>>, vector<1x1x812x64xbf16>
    %get3A_16 = vector.shape_cast %get3A_15 : vector<1x1x812x64xbf16> to vector<812x64xbf16>
    %get3A_17 = arith.constant 0 : index
    %get3A_18 = arith.constant 1 : index
    %get3A_19 = arith.constant 1 : index
    %get3A_20 = arith.constant 0 : index
    %get3A_21 = vector.load %arg1[%get3A_17, %get3A_18, %get3A_19, %get3A_20] : memref<1x4x870x64xbf16, #tpu.memory_space<vmem>>, vector<1x1x812x64xbf16>
    %get3A_22 = vector.shape_cast %get3A_21 : vector<1x1x812x64xbf16> to vector<812x64xbf16>
    %get3A_23 = arith.constant 0 : index
    %get3A_24 = arith.constant 2 : index
    %get3A_25 = arith.constant 0 : index
    %get3A_26 = arith.constant 0 : index
    %get3A_27 = vector.load %arg1[%get3A_23, %get3A_24, %get3A_25, %get3A_26] : memref<1x4x870x64xbf16, #tpu.memory_space<vmem>>, vector<1x1x812x64xbf16>
    %get3A_28 = vector.shape_cast %get3A_27 : vector<1x1x812x64xbf16> to vector<812x64xbf16>
    %get3A_29 = arith.constant 0 : index
    %get3A_30 = arith.constant 3 : index
    %get3A_31 = arith.constant 0 : index
    %get3A_32 = arith.constant 0 : index
    %get3A_33 = vector.load %arg1[%get3A_29, %get3A_30, %get3A_31, %get3A_32] : memref<1x4x870x64xbf16, #tpu.memory_space<vmem>>, vector<1x1x812x64xbf16>
    %get3A_34 = vector.shape_cast %get3A_33 : vector<1x1x812x64xbf16> to vector<812x64xbf16>
    %get3A_35 = arith.constant 0 : index
    %get3A_36 = arith.constant 2 : index
    %get3A_37 = arith.constant 1 : index
    %get3A_38 = arith.constant 0 : index
    %get3A_39 = vector.load %arg1[%get3A_35, %get3A_36, %get3A_37, %get3A_38] : memref<1x4x870x64xbf16, #tpu.memory_space<vmem>>, vector<1x1x812x64xbf16>
    %get3A_40 = vector.shape_cast %get3A_39 : vector<1x1x812x64xbf16> to vector<812x64xbf16>
    %get3A_41 = arith.constant 0 : index
    %get3A_42 = arith.constant 3 : index
    %get3A_43 = arith.constant 1 : index
    %get3A_44 = arith.constant 0 : index
    %get3A_45 = vector.load %arg1[%get3A_41, %get3A_42, %get3A_43, %get3A_44] : memref<1x4x870x64xbf16, #tpu.memory_space<vmem>>, vector<1x1x812x64xbf16>
    %get3A_46 = vector.shape_cast %get3A_45 : vector<1x1x812x64xbf16> to vector<812x64xbf16>
    %get3A_47 = arith.constant 0 : index
    %get3A_48 = arith.constant 0 : index
    %get3A_49 = arith.constant 29 : index
    %get3A_50 = arith.constant 0 : index
    %get3A_51 = vector.load %arg1[%get3A_47, %get3A_48, %get3A_49, %get3A_50] : memref<1x4x870x64xbf16, #tpu.memory_space<vmem>>, vector<1x1x812x64xbf16>
    %get3A_52 = vector.shape_cast %get3A_51 : vector<1x1x812x64xbf16> to vector<812x64xbf16>
    %get3A_53 = arith.constant 0 : index
    %get3A_54 = arith.constant 1 : index
    %get3A_55 = arith.constant 29 : index
    %get3A_56 = arith.constant 0 : index
    %get3A_57 = vector.load %arg1[%get3A_53, %get3A_54, %get3A_55, %get3A_56] : memref<1x4x870x64xbf16, #tpu.memory_space<vmem>>, vector<1x1x812x64xbf16>
    %get3A_58 = vector.shape_cast %get3A_57 : vector<1x1x812x64xbf16> to vector<812x64xbf16>
    %get3A_59 = arith.constant 0 : index
    %get3A_60 = arith.constant 0 : index
    %get3A_61 = arith.constant 30 : index
    %get3A_62 = arith.constant 0 : index
    %get3A_63 = vector.load %arg1[%get3A_59, %get3A_60, %get3A_61, %get3A_62] : memref<1x4x870x64xbf16, #tpu.memory_space<vmem>>, vector<1x1x812x64xbf16>
    %get3A_64 = vector.shape_cast %get3A_63 : vector<1x1x812x64xbf16> to vector<812x64xbf16>
    %get3A_65 = arith.constant 0 : index
    %get3A_66 = arith.constant 1 : index
    %get3A_67 = arith.constant 30 : index
    %get3A_68 = arith.constant 0 : index
    %get3A_69 = vector.load %arg1[%get3A_65, %get3A_66, %get3A_67, %get3A_68] : memref<1x4x870x64xbf16, #tpu.memory_space<vmem>>, vector<1x1x812x64xbf16>
    %get3A_70 = vector.shape_cast %get3A_69 : vector<1x1x812x64xbf16> to vector<812x64xbf16>
    %get3A_71 = arith.constant 0 : index
    %get3A_72 = arith.constant 2 : index
    %get3A_73 = arith.constant 29 : index
    %get3A_74 = arith.constant 0 : index
    %get3A_75 = vector.load %arg1[%get3A_71, %get3A_72, %get3A_73, %get3A_74] : memref<1x4x870x64xbf16, #tpu.memory_space<vmem>>, vector<1x1x812x64xbf16>
    %get3A_76 = vector.shape_cast %get3A_75 : vector<1x1x812x64xbf16> to vector<812x64xbf16>
    %get3A_77 = arith.constant 0 : index
    %get3A_78 = arith.constant 3 : index
    %get3A_79 = arith.constant 29 : index
    %get3A_80 = arith.constant 0 : index
    %get3A_81 = vector.load %arg1[%get3A_77, %get3A_78, %get3A_79, %get3A_80] : memref<1x4x870x64xbf16, #tpu.memory_space<vmem>>, vector<1x1x812x64xbf16>
    %get3A_82 = vector.shape_cast %get3A_81 : vector<1x1x812x64xbf16> to vector<812x64xbf16>
    %get3A_83 = arith.constant 0 : index
    %get3A_84 = arith.constant 2 : index
    %get3A_85 = arith.constant 30 : index
    %get3A_86 = arith.constant 0 : index
    %get3A_87 = vector.load %arg1[%get3A_83, %get3A_84, %get3A_85, %get3A_86] : memref<1x4x870x64xbf16, #tpu.memory_space<vmem>>, vector<1x1x812x64xbf16>
    %get3A_88 = vector.shape_cast %get3A_87 : vector<1x1x812x64xbf16> to vector<812x64xbf16>
    %get3A_89 = arith.constant 0 : index
    %get3A_90 = arith.constant 3 : index
    %get3A_91 = arith.constant 30 : index
    %get3A_92 = arith.constant 0 : index
    %get3A_93 = vector.load %arg1[%get3A_89, %get3A_90, %get3A_91, %get3A_92] : memref<1x4x870x64xbf16, #tpu.memory_space<vmem>>, vector<1x1x812x64xbf16>
    %get3A_94 = vector.shape_cast %get3A_93 : vector<1x1x812x64xbf16> to vector<812x64xbf16>
    %concatenate3A = tpu.concatenate %get3A_4, %get3A_10, %get3A_16, %get3A_22, %get3A_28, %get3A_34, %get3A_40, %get3A_46, %get3A_52, %get3A_58, %get3A_64, %get3A_70, %get3A_76, %get3A_82, %get3A_88, %get3A_94 in 1 : vector<812x64xbf16>, vector<812x64xbf16>, vector<812x64xbf16>, vector<812x64xbf16>, vector<812x64xbf16>, vector<812x64xbf16>, vector<812x64xbf16>, vector<812x64xbf16>, vector<812x64xbf16>, vector<812x64xbf16>, vector<812x64xbf16>, vector<812x64xbf16>, vector<812x64xbf16>, vector<812x64xbf16>, vector<812x64xbf16>, vector<812x64xbf16> -> vector<812x1024xbf16>
    %get3A_95 = arith.constant 0 : index
    %get3A_96 = arith.constant 0 : index
    %get3A_97 = vector.load %arg2[%get3A_95, %get3A_96] : memref<1024x128xbf16, #tpu.memory_space<vmem>>, vector<1024x128xbf16>
    %dot_general3A = arith.constant dense<0.000000e+00> : vector<812x128xf32>
    %dot_general3A_98 = tpu.matmul %concatenate3A, %get3A_97, %dot_general3A {dimension_numbers = #tpu.dot_dimension_numbers<[1], [0], [0], [1], [0, 0, 1, 1], [], []>, transpose_lhs_hint = false} : vector<812x1024xbf16>, vector<1024x128xbf16>, vector<812x128xf32> -> vector<812x128xf32>
    %get3A_99 = arith.constant 0 : index
    %get3A_100 = arith.constant 0 : index
    %get3A_101 = vector.load %arg3[%get3A_99, %get3A_100] : memref<1x128xf32, #tpu.memory_space<vmem>>, vector<1x128xf32>
    %add3A = vector.broadcast %get3A_101 : vector<1x128xf32> to vector<812x128xf32>
    %add3A_102 = arith.addf %dot_general3A_98, %add3A : vector<812x128xf32>
    %max3A = arith.constant 0.000000e+00 : f32
    %max3A_103 = vector.broadcast %max3A : f32 to vector<812x128xf32>
    %max3A_104 = arith.maximumf %add3A_102, %max3A_103 : vector<812x128xf32>
    %convert_element_type3A = arith.truncf %max3A_104 : vector<812x128xf32> to vector<812x128xbf16>
    %reshape3A = vector.shape_cast %convert_element_type3A : vector<812x128xbf16> to vector<28x29x128xbf16>
    %slice3A = vector.extract_strided_slice %reshape3A {offsets = [0, 0, 0], sizes = [28, 28, 128], strides = [1, 1, 1]} : vector<28x29x128xbf16> to vector<28x28x128xbf16>
    %jit3A = arith.constant 0 : i32
    %convert_element_type3A_105 = arith.sitofp %jit3A : i32 to bf16
    %pad3A = vector.broadcast %convert_element_type3A_105 : bf16 to vector<1x28x128xbf16>
    %pad3A_106 = tpu.concatenate %pad3A, %slice3A in 0 : vector<1x28x128xbf16>, vector<28x28x128xbf16> -> vector<29x28x128xbf16>
    %pad3A_107 = vector.broadcast %convert_element_type3A_105 : bf16 to vector<3x28x128xbf16>
    %pad3A_108 = tpu.concatenate %pad3A_106, %pad3A_107 in 0 : vector<29x28x128xbf16>, vector<3x28x128xbf16> -> vector<32x28x128xbf16>
    %pad3A_109 = vector.broadcast %convert_element_type3A_105 : bf16 to vector<32x1x128xbf16>
    %pad3A_110 = tpu.concatenate %pad3A_109, %pad3A_108 in 1 : vector<32x1x128xbf16>, vector<32x28x128xbf16> -> vector<32x29x128xbf16>
    %pad3A_111 = vector.broadcast %convert_element_type3A_105 : bf16 to vector<32x1x128xbf16>
    %pad3A_112 = tpu.concatenate %pad3A_110, %pad3A_111 in 1 : vector<32x29x128xbf16>, vector<32x1x128xbf16> -> vector<32x30x128xbf16>
    %reshape3A_113 = vector.shape_cast %pad3A_112 : vector<32x30x128xbf16> to vector<16x2x15x2x128xbf16>
    %transpose3A = tpu.transpose %reshape3A_113, [1, 3, 0, 2, 4] : vector<16x2x15x2x128xbf16> -> vector<2x2x16x15x128xbf16>
    %reshape3A_114 = vector.shape_cast %transpose3A : vector<2x2x16x15x128xbf16> to vector<4x240x128xbf16>
    %swap3A = arith.constant 0 : index
    %swap3A_115 = arith.constant 0 : index
    %swap3A_116 = arith.constant 0 : index
    %swap3A_117 = arith.constant 0 : index
    %swap3A_118 = vector.load %arg4[%swap3A, %swap3A_115, %swap3A_116, %swap3A_117] : memref<1x4x240x128xbf16, #tpu.memory_space<vmem>>, vector<1x4x240x128xbf16>
    %swap3A_119 = vector.shape_cast %swap3A_118 : vector<1x4x240x128xbf16> to vector<4x240x128xbf16>
    %swap3A_120 = vector.shape_cast %reshape3A_114 : vector<4x240x128xbf16> to vector<1x4x240x128xbf16>
    tpu.vector_store %arg4[%swap3A, %swap3A_115, %swap3A_116, %swap3A_117], %swap3A_120 {strides = array<i32>} : memref<1x4x240x128xbf16, #tpu.memory_space<vmem>>, vector<1x4x240x128xbf16>,
    return
  }
  func.func @transform_0(%arg0: i32) -> (i32, i32, i32, i32) {
    %c0_i32 = arith.constant 0 : i32
    %c0_i32_0 = arith.constant 0 : i32
    %c0_i32_1 = arith.constant 0 : i32
    %c0_i32_2 = arith.constant 0 : i32
    return %arg0, %c0_i32, %c0_i32_0, %c0_i32_1 : i32, i32, i32, i32
  }
  func.func @transform_1(%arg0: i32) -> (i32, i32) {
    %c0_i32 = arith.constant 0 : i32
    %c0_i32_0 = arith.constant 0 : i32
    %c0_i32_1 = arith.constant 0 : i32
    return %c0_i32, %c0_i32_0 : i32, i32
  }
  func.func @transform_2(%arg0: i32) -> (i32, i32) {
    %c0_i32 = arith.constant 0 : i32
    %c0_i32_0 = arith.constant 0 : i32
    %c0_i32_1 = arith.constant 0 : i32
    return %c0_i32, %c0_i32_0 : i32, i32
  }
  func.func @transform_3(%arg0: i32) -> (i32, i32, i32, i32) {
    %c0_i32 = arith.constant 0 : i32
    %c0_i32_0 = arith.constant 0 : i32
    %c0_i32_1 = arith.constant 0 : i32
    %c0_i32_2 = arith.constant 0 : i32
    return %arg0, %c0_i32, %c0_i32_0, %c0_i32_1 : i32, i32, i32, i32
  }
}

module attributes {stable_mosaic.version = 14 : i64} {
  func.func @_enc_body(%arg0: i32, %arg1: memref<1x4x240x128xbf16, #tpu.memory_space<vmem>>, %arg2: memref<2048x256xbf16, #tpu.memory_space<vmem>>, %arg3: memref<1x256xf32, #tpu.memory_space<vmem>>, %arg4: memref<1x256x196xf32, #tpu.memory_space<vmem>>) attributes {dimension_semantics = [#tpu.dimension_semantics<arbitrary>], iteration_bounds = array<i64: 16>, scalar_prefetch = 0 : i64, scratch_operands = 0 : i64, tpu.core_type = #tpu.core_type<tc>, window_params = [{transform_indices = @transform_0, window_bounds = array<i64: 1, 4, 240, 128>}, {pipeline_mode = #tpu.pipeline_mode<synchronous>, transform_indices = @transform_1, window_bounds = array<i64: 2048, 256>}, {pipeline_mode = #tpu.pipeline_mode<synchronous>, transform_indices = @transform_2, window_bounds = array<i64: 1, 256>}, {transform_indices = @transform_3, window_bounds = array<i64: 1, 256, 196>}]} {
    %get3A = arith.constant 0 : index
    %get3A_0 = arith.constant 0 : index
    %get3A_1 = arith.constant 0 : index
    %get3A_2 = arith.constant 0 : index
    %get3A_3 = vector.load %arg1[%get3A, %get3A_0, %get3A_1, %get3A_2] : memref<1x4x240x128xbf16, #tpu.memory_space<vmem>>, vector<1x1x210x128xbf16>
    %get3A_4 = vector.shape_cast %get3A_3 : vector<1x1x210x128xbf16> to vector<210x128xbf16>
    %get3A_5 = arith.constant 0 : index
    %get3A_6 = arith.constant 1 : index
    %get3A_7 = arith.constant 0 : index
    %get3A_8 = arith.constant 0 : index
    %get3A_9 = vector.load %arg1[%get3A_5, %get3A_6, %get3A_7, %get3A_8] : memref<1x4x240x128xbf16, #tpu.memory_space<vmem>>, vector<1x1x210x128xbf16>
    %get3A_10 = vector.shape_cast %get3A_9 : vector<1x1x210x128xbf16> to vector<210x128xbf16>
    %get3A_11 = arith.constant 0 : index
    %get3A_12 = arith.constant 0 : index
    %get3A_13 = arith.constant 1 : index
    %get3A_14 = arith.constant 0 : index
    %get3A_15 = vector.load %arg1[%get3A_11, %get3A_12, %get3A_13, %get3A_14] : memref<1x4x240x128xbf16, #tpu.memory_space<vmem>>, vector<1x1x210x128xbf16>
    %get3A_16 = vector.shape_cast %get3A_15 : vector<1x1x210x128xbf16> to vector<210x128xbf16>
    %get3A_17 = arith.constant 0 : index
    %get3A_18 = arith.constant 1 : index
    %get3A_19 = arith.constant 1 : index
    %get3A_20 = arith.constant 0 : index
    %get3A_21 = vector.load %arg1[%get3A_17, %get3A_18, %get3A_19, %get3A_20] : memref<1x4x240x128xbf16, #tpu.memory_space<vmem>>, vector<1x1x210x128xbf16>
    %get3A_22 = vector.shape_cast %get3A_21 : vector<1x1x210x128xbf16> to vector<210x128xbf16>
    %get3A_23 = arith.constant 0 : index
    %get3A_24 = arith.constant 2 : index
    %get3A_25 = arith.constant 0 : index
    %get3A_26 = arith.constant 0 : index
    %get3A_27 = vector.load %arg1[%get3A_23, %get3A_24, %get3A_25, %get3A_26] : memref<1x4x240x128xbf16, #tpu.memory_space<vmem>>, vector<1x1x210x128xbf16>
    %get3A_28 = vector.shape_cast %get3A_27 : vector<1x1x210x128xbf16> to vector<210x128xbf16>
    %get3A_29 = arith.constant 0 : index
    %get3A_30 = arith.constant 3 : index
    %get3A_31 = arith.constant 0 : index
    %get3A_32 = arith.constant 0 : index
    %get3A_33 = vector.load %arg1[%get3A_29, %get3A_30, %get3A_31, %get3A_32] : memref<1x4x240x128xbf16, #tpu.memory_space<vmem>>, vector<1x1x210x128xbf16>
    %get3A_34 = vector.shape_cast %get3A_33 : vector<1x1x210x128xbf16> to vector<210x128xbf16>
    %get3A_35 = arith.constant 0 : index
    %get3A_36 = arith.constant 2 : index
    %get3A_37 = arith.constant 1 : index
    %get3A_38 = arith.constant 0 : index
    %get3A_39 = vector.load %arg1[%get3A_35, %get3A_36, %get3A_37, %get3A_38] : memref<1x4x240x128xbf16, #tpu.memory_space<vmem>>, vector<1x1x210x128xbf16>
    %get3A_40 = vector.shape_cast %get3A_39 : vector<1x1x210x128xbf16> to vector<210x128xbf16>
    %get3A_41 = arith.constant 0 : index
    %get3A_42 = arith.constant 3 : index
    %get3A_43 = arith.constant 1 : index
    %get3A_44 = arith.constant 0 : index
    %get3A_45 = vector.load %arg1[%get3A_41, %get3A_42, %get3A_43, %get3A_44] : memref<1x4x240x128xbf16, #tpu.memory_space<vmem>>, vector<1x1x210x128xbf16>
    %get3A_46 = vector.shape_cast %get3A_45 : vector<1x1x210x128xbf16> to vector<210x128xbf16>
    %get3A_47 = arith.constant 0 : index
    %get3A_48 = arith.constant 0 : index
    %get3A_49 = arith.constant 15 : index
    %get3A_50 = arith.constant 0 : index
    %get3A_51 = vector.load %arg1[%get3A_47, %get3A_48, %get3A_49, %get3A_50] : memref<1x4x240x128xbf16, #tpu.memory_space<vmem>>, vector<1x1x210x128xbf16>
    %get3A_52 = vector.shape_cast %get3A_51 : vector<1x1x210x128xbf16> to vector<210x128xbf16>
    %get3A_53 = arith.constant 0 : index
    %get3A_54 = arith.constant 1 : index
    %get3A_55 = arith.constant 15 : index
    %get3A_56 = arith.constant 0 : index
    %get3A_57 = vector.load %arg1[%get3A_53, %get3A_54, %get3A_55, %get3A_56] : memref<1x4x240x128xbf16, #tpu.memory_space<vmem>>, vector<1x1x210x128xbf16>
    %get3A_58 = vector.shape_cast %get3A_57 : vector<1x1x210x128xbf16> to vector<210x128xbf16>
    %get3A_59 = arith.constant 0 : index
    %get3A_60 = arith.constant 0 : index
    %get3A_61 = arith.constant 16 : index
    %get3A_62 = arith.constant 0 : index
    %get3A_63 = vector.load %arg1[%get3A_59, %get3A_60, %get3A_61, %get3A_62] : memref<1x4x240x128xbf16, #tpu.memory_space<vmem>>, vector<1x1x210x128xbf16>
    %get3A_64 = vector.shape_cast %get3A_63 : vector<1x1x210x128xbf16> to vector<210x128xbf16>
    %get3A_65 = arith.constant 0 : index
    %get3A_66 = arith.constant 1 : index
    %get3A_67 = arith.constant 16 : index
    %get3A_68 = arith.constant 0 : index
    %get3A_69 = vector.load %arg1[%get3A_65, %get3A_66, %get3A_67, %get3A_68] : memref<1x4x240x128xbf16, #tpu.memory_space<vmem>>, vector<1x1x210x128xbf16>
    %get3A_70 = vector.shape_cast %get3A_69 : vector<1x1x210x128xbf16> to vector<210x128xbf16>
    %get3A_71 = arith.constant 0 : index
    %get3A_72 = arith.constant 2 : index
    %get3A_73 = arith.constant 15 : index
    %get3A_74 = arith.constant 0 : index
    %get3A_75 = vector.load %arg1[%get3A_71, %get3A_72, %get3A_73, %get3A_74] : memref<1x4x240x128xbf16, #tpu.memory_space<vmem>>, vector<1x1x210x128xbf16>
    %get3A_76 = vector.shape_cast %get3A_75 : vector<1x1x210x128xbf16> to vector<210x128xbf16>
    %get3A_77 = arith.constant 0 : index
    %get3A_78 = arith.constant 3 : index
    %get3A_79 = arith.constant 15 : index
    %get3A_80 = arith.constant 0 : index
    %get3A_81 = vector.load %arg1[%get3A_77, %get3A_78, %get3A_79, %get3A_80] : memref<1x4x240x128xbf16, #tpu.memory_space<vmem>>, vector<1x1x210x128xbf16>
    %get3A_82 = vector.shape_cast %get3A_81 : vector<1x1x210x128xbf16> to vector<210x128xbf16>
    %get3A_83 = arith.constant 0 : index
    %get3A_84 = arith.constant 2 : index
    %get3A_85 = arith.constant 16 : index
    %get3A_86 = arith.constant 0 : index
    %get3A_87 = vector.load %arg1[%get3A_83, %get3A_84, %get3A_85, %get3A_86] : memref<1x4x240x128xbf16, #tpu.memory_space<vmem>>, vector<1x1x210x128xbf16>
    %get3A_88 = vector.shape_cast %get3A_87 : vector<1x1x210x128xbf16> to vector<210x128xbf16>
    %get3A_89 = arith.constant 0 : index
    %get3A_90 = arith.constant 3 : index
    %get3A_91 = arith.constant 16 : index
    %get3A_92 = arith.constant 0 : index
    %get3A_93 = vector.load %arg1[%get3A_89, %get3A_90, %get3A_91, %get3A_92] : memref<1x4x240x128xbf16, #tpu.memory_space<vmem>>, vector<1x1x210x128xbf16>
    %get3A_94 = vector.shape_cast %get3A_93 : vector<1x1x210x128xbf16> to vector<210x128xbf16>
    %concatenate3A = tpu.concatenate %get3A_4, %get3A_10, %get3A_16, %get3A_22, %get3A_28, %get3A_34, %get3A_40, %get3A_46, %get3A_52, %get3A_58, %get3A_64, %get3A_70, %get3A_76, %get3A_82, %get3A_88, %get3A_94 in 1 : vector<210x128xbf16>, vector<210x128xbf16>, vector<210x128xbf16>, vector<210x128xbf16>, vector<210x128xbf16>, vector<210x128xbf16>, vector<210x128xbf16>, vector<210x128xbf16>, vector<210x128xbf16>, vector<210x128xbf16>, vector<210x128xbf16>, vector<210x128xbf16>, vector<210x128xbf16>, vector<210x128xbf16>, vector<210x128xbf16>, vector<210x128xbf16> -> vector<210x2048xbf16>
    %get3A_95 = arith.constant 0 : index
    %get3A_96 = arith.constant 0 : index
    %get3A_97 = vector.load %arg2[%get3A_95, %get3A_96] : memref<2048x256xbf16, #tpu.memory_space<vmem>>, vector<2048x256xbf16>
    %dot_general3A = arith.constant dense<0.000000e+00> : vector<210x256xf32>
    %dot_general3A_98 = tpu.matmul %concatenate3A, %get3A_97, %dot_general3A {dimension_numbers = #tpu.dot_dimension_numbers<[1], [0], [0], [1], [0, 0, 1, 1], [], []>, transpose_lhs_hint = false} : vector<210x2048xbf16>, vector<2048x256xbf16>, vector<210x256xf32> -> vector<210x256xf32>
    %get3A_99 = arith.constant 0 : index
    %get3A_100 = arith.constant 0 : index
    %get3A_101 = vector.load %arg3[%get3A_99, %get3A_100] : memref<1x256xf32, #tpu.memory_space<vmem>>, vector<1x256xf32>
    %add3A = vector.broadcast %get3A_101 : vector<1x256xf32> to vector<210x256xf32>
    %add3A_102 = arith.addf %dot_general3A_98, %add3A : vector<210x256xf32>
    %reshape3A = vector.shape_cast %add3A_102 : vector<210x256xf32> to vector<14x15x256xf32>
    %slice3A = vector.extract_strided_slice %reshape3A {offsets = [0, 0, 0], sizes = [14, 14, 256], strides = [1, 1, 1]} : vector<14x15x256xf32> to vector<14x14x256xf32>
    %reshape3A_103 = vector.shape_cast %slice3A : vector<14x14x256xf32> to vector<196x256xf32>
    %transpose3A = tpu.transpose %reshape3A_103, [1, 0] : vector<196x256xf32> -> vector<256x196xf32>
    %swap3A = arith.constant 0 : index
    %swap3A_104 = arith.constant 0 : index
    %swap3A_105 = arith.constant 0 : index
    %swap3A_106 = vector.load %arg4[%swap3A, %swap3A_104, %swap3A_105] : memref<1x256x196xf32, #tpu.memory_space<vmem>>, vector<1x256x196xf32>
    %swap3A_107 = vector.shape_cast %swap3A_106 : vector<1x256x196xf32> to vector<256x196xf32>
    %swap3A_108 = vector.shape_cast %transpose3A : vector<256x196xf32> to vector<1x256x196xf32>
    tpu.vector_store %arg4[%swap3A, %swap3A_104, %swap3A_105], %swap3A_108 {strides = array<i32>} : memref<1x256x196xf32, #tpu.memory_space<vmem>>, vector<1x256x196xf32>,
    return
  }
  func.func @transform_0(%arg0: i32) -> (i32, i32, i32, i32) {
    %c0_i32 = arith.constant 0 : i32
    %c0_i32_0 = arith.constant 0 : i32
    %c0_i32_1 = arith.constant 0 : i32
    %c0_i32_2 = arith.constant 0 : i32
    return %arg0, %c0_i32, %c0_i32_0, %c0_i32_1 : i32, i32, i32, i32
  }
  func.func @transform_1(%arg0: i32) -> (i32, i32) {
    %c0_i32 = arith.constant 0 : i32
    %c0_i32_0 = arith.constant 0 : i32
    %c0_i32_1 = arith.constant 0 : i32
    return %c0_i32, %c0_i32_0 : i32, i32
  }
  func.func @transform_2(%arg0: i32) -> (i32, i32) {
    %c0_i32 = arith.constant 0 : i32
    %c0_i32_0 = arith.constant 0 : i32
    %c0_i32_1 = arith.constant 0 : i32
    return %c0_i32, %c0_i32_0 : i32, i32
  }
  func.func @transform_3(%arg0: i32) -> (i32, i32, i32) {
    %c0_i32 = arith.constant 0 : i32
    %c0_i32_0 = arith.constant 0 : i32
    %c0_i32_1 = arith.constant 0 : i32
    return %arg0, %c0_i32, %c0_i32_0 : i32, i32, i32
  }
}

module attributes {stable_mosaic.version = 14 : i64} {
  func.func @_vq_body(%arg0: i32, %arg1: memref<1x392x256xf32, #tpu.memory_space<vmem>>, %arg2: memref<1x392x256xbf16, #tpu.memory_space<vmem>>, %arg3: memref<256x1024xbf16, #tpu.memory_space<vmem>>, %arg4: memref<1024x256xf32, #tpu.memory_space<vmem>>, %arg5: memref<1x1x392xi32, #tpu.memory_space<vmem>>) attributes {dimension_semantics = [#tpu.dimension_semantics<arbitrary>], iteration_bounds = array<i64: 8>, scalar_prefetch = 0 : i64, scratch_operands = 0 : i64, tpu.core_type = #tpu.core_type<tc>, window_params = [{transform_indices = @transform_0, window_bounds = array<i64: 1, 392, 256>}, {transform_indices = @transform_1, window_bounds = array<i64: 1, 392, 256>}, {pipeline_mode = #tpu.pipeline_mode<synchronous>, transform_indices = @transform_2, window_bounds = array<i64: 256, 1024>}, {pipeline_mode = #tpu.pipeline_mode<synchronous>, transform_indices = @transform_3, window_bounds = array<i64: 1024, 256>}, {transform_indices = @transform_4, window_bounds = array<i64: 1, 1, 392>}]} {
    %get3A = arith.constant 0 : index
    %get3A_0 = arith.constant 0 : index
    %get3A_1 = arith.constant 0 : index
    %get3A_2 = vector.load %arg1[%get3A, %get3A_0, %get3A_1] : memref<1x392x256xf32, #tpu.memory_space<vmem>>, vector<1x392x256xf32>
    %get3A_3 = vector.shape_cast %get3A_2 : vector<1x392x256xf32> to vector<392x256xf32>
    %get3A_4 = arith.constant 0 : index
    %get3A_5 = arith.constant 0 : index
    %get3A_6 = arith.constant 0 : index
    %get3A_7 = vector.load %arg2[%get3A_4, %get3A_5, %get3A_6] : memref<1x392x256xbf16, #tpu.memory_space<vmem>>, vector<1x392x256xbf16>
    %get3A_8 = vector.shape_cast %get3A_7 : vector<1x392x256xbf16> to vector<392x256xbf16>
    %get3A_9 = arith.constant 0 : index
    %get3A_10 = arith.constant 0 : index
    %get3A_11 = vector.load %arg3[%get3A_9, %get3A_10] : memref<256x1024xbf16, #tpu.memory_space<vmem>>, vector<256x1024xbf16>
    %dot_general3A = arith.constant dense<0.000000e+00> : vector<392x1024xf32>
    %dot_general3A_12 = tpu.matmul %get3A_8, %get3A_11, %dot_general3A {dimension_numbers = #tpu.dot_dimension_numbers<[1], [0], [0], [1], [0, 0, 1, 1], [], []>, transpose_lhs_hint = false} : vector<392x256xbf16>, vector<256x1024xbf16>, vector<392x1024xf32> -> vector<392x1024xf32>
    %mul3A = arith.mulf %get3A_3, %get3A_3 : vector<392x256xf32>
    %reduce_sum3A = arith.constant dense<0.000000e+00> : vector<392xf32>
    %reduce_sum3A_13 = vector.multi_reduction <add>, %mul3A, %reduce_sum3A [1] : vector<392x256xf32> to vector<392xf32>
    %broadcast_in_dim3A = vector.shape_cast %reduce_sum3A_13 : vector<392xf32> to vector<392x1xf32>
    %get3A_14 = arith.constant 0 : index
    %get3A_15 = arith.constant 0 : index
    %get3A_16 = vector.load %arg4[%get3A_14, %get3A_15] : memref<1024x256xf32, #tpu.memory_space<vmem>>, vector<1024x256xf32>
    %mul3A_17 = arith.mulf %get3A_16, %get3A_16 : vector<1024x256xf32>
    %reduce_sum3A_18 = arith.constant dense<0.000000e+00> : vector<1024xf32>
    %reduce_sum3A_19 = vector.multi_reduction <add>, %mul3A_17, %reduce_sum3A_18 [1] : vector<1024x256xf32> to vector<1024xf32>
    %broadcast_in_dim3A_20 = vector.shape_cast %reduce_sum3A_19 : vector<1024xf32> to vector<1x1024xf32>
    %add3A = vector.broadcast %broadcast_in_dim3A : vector<392x1xf32> to vector<392x1024xf32>
    %add3A_21 = vector.broadcast %broadcast_in_dim3A_20 : vector<1x1024xf32> to vector<392x1024xf32>
    %add3A_22 = arith.addf %add3A, %add3A_21 : vector<392x1024xf32>
    %mul3A_23 = arith.constant 2.000000e+00 : f32
    %mul3A_24 = vector.broadcast %mul3A_23 : f32 to vector<392x1024xf32>
    %mul3A_25 = arith.mulf %mul3A_24, %dot_general3A_12 : vector<392x1024xf32>
    %sub3A = arith.subf %add3A_22, %mul3A_25 : vector<392x1024xf32>
    %reduce_min3A = arith.constant dense<0x7F800000> : vector<392xf32>
    %reduce_min3A_26 = vector.multi_reduction <minimumf>, %sub3A, %reduce_min3A [1] : vector<392x1024xf32> to vector<392xf32>
    %broadcast_in_dim3A_27 = vector.shape_cast %reduce_min3A_26 : vector<392xf32> to vector<392x1xf32>
    %iota3A = tpu.iota {dimensions = array<i32: 1>} : vector<392x1024xi32>
    %eq3A = vector.broadcast %broadcast_in_dim3A_27 : vector<392x1xf32> to vector<392x1024xf32>
    %eq3A_28 = arith.cmpf oeq, %sub3A, %eq3A : vector<392x1024xf32>
    %jit3A = arith.constant 1024 : i32
    %broadcast_in_dim3A_29 = vector.broadcast %jit3A : i32 to vector<392x1024xi32>
    %select_n3A = arith.select %eq3A_28, %iota3A, %broadcast_in_dim3A_29 : vector<392x1024xi1>, vector<392x1024xi32>
    %reduce_min3A_30 = arith.constant dense<2147483647> : vector<392xi32>
    %reduce_min3A_31 = vector.multi_reduction <minsi>, %select_n3A, %reduce_min3A_30 [1] : vector<392x1024xi32> to vector<392xi32>
    %reshape3A = vector.shape_cast %reduce_min3A_31 : vector<392xi32> to vector<1x392xi32>
    %swap3A = arith.constant 0 : index
    %swap3A_32 = arith.constant 0 : index
    %swap3A_33 = arith.constant 0 : index
    %swap3A_34 = vector.load %arg5[%swap3A, %swap3A_32, %swap3A_33] : memref<1x1x392xi32, #tpu.memory_space<vmem>>, vector<1x1x392xi32>
    %swap3A_35 = vector.shape_cast %swap3A_34 : vector<1x1x392xi32> to vector<1x392xi32>
    %swap3A_36 = vector.shape_cast %reshape3A : vector<1x392xi32> to vector<1x1x392xi32>
    tpu.vector_store %arg5[%swap3A, %swap3A_32, %swap3A_33], %swap3A_36 {strides = array<i32>} : memref<1x1x392xi32, #tpu.memory_space<vmem>>, vector<1x1x392xi32>,
    return
  }
  func.func @transform_0(%arg0: i32) -> (i32, i32, i32) {
    %c0_i32 = arith.constant 0 : i32
    %c0_i32_0 = arith.constant 0 : i32
    %c0_i32_1 = arith.constant 0 : i32
    return %arg0, %c0_i32, %c0_i32_0 : i32, i32, i32
  }
  func.func @transform_1(%arg0: i32) -> (i32, i32, i32) {
    %c0_i32 = arith.constant 0 : i32
    %c0_i32_0 = arith.constant 0 : i32
    %c0_i32_1 = arith.constant 0 : i32
    return %arg0, %c0_i32, %c0_i32_0 : i32, i32, i32
  }
  func.func @transform_2(%arg0: i32) -> (i32, i32) {
    %c0_i32 = arith.constant 0 : i32
    %c0_i32_0 = arith.constant 0 : i32
    %c0_i32_1 = arith.constant 0 : i32
    return %c0_i32, %c0_i32_0 : i32, i32
  }
  func.func @transform_3(%arg0: i32) -> (i32, i32) {
    %c0_i32 = arith.constant 0 : i32
    %c0_i32_0 = arith.constant 0 : i32
    %c0_i32_1 = arith.constant 0 : i32
    return %c0_i32, %c0_i32_0 : i32, i32
  }
  func.func @transform_4(%arg0: i32) -> (i32, i32, i32) {
    %c0_i32 = arith.constant 0 : i32
    %c0_i32_0 = arith.constant 0 : i32
    %c0_i32_1 = arith.constant 0 : i32
    return %arg0, %c0_i32, %c0_i32_0 : i32, i32, i32
  }
}

module attributes {stable_mosaic.version = 14 : i64} {
  func.func @_loss_body(%arg0: i32, %arg1: memref<1x256x196xf32, #tpu.memory_space<vmem>>, %arg2: memref<1x256x196xf32, #tpu.memory_space<vmem>>, %arg3: memref<1x1x1xf32, #tpu.memory_space<vmem>>, %arg4: memref<1x196x256xbf16, #tpu.memory_space<vmem>>) attributes {dimension_semantics = [#tpu.dimension_semantics<arbitrary>], iteration_bounds = array<i64: 16>, scalar_prefetch = 0 : i64, scratch_operands = 0 : i64, tpu.core_type = #tpu.core_type<tc>, window_params = [{transform_indices = @transform_0, window_bounds = array<i64: 1, 256, 196>}, {transform_indices = @transform_1, window_bounds = array<i64: 1, 256, 196>}, {transform_indices = @transform_2, window_bounds = array<i64: 1, 1, 1>}, {transform_indices = @transform_3, window_bounds = array<i64: 1, 196, 256>}]} {
    %get3A = arith.constant 0 : index
    %get3A_0 = arith.constant 0 : index
    %get3A_1 = arith.constant 0 : index
    %get3A_2 = vector.load %arg1[%get3A, %get3A_0, %get3A_1] : memref<1x256x196xf32, #tpu.memory_space<vmem>>, vector<1x256x196xf32>
    %get3A_3 = vector.shape_cast %get3A_2 : vector<1x256x196xf32> to vector<256x196xf32>
    %get3A_4 = arith.constant 0 : index
    %get3A_5 = arith.constant 0 : index
    %get3A_6 = arith.constant 0 : index
    %get3A_7 = vector.load %arg2[%get3A_4, %get3A_5, %get3A_6] : memref<1x256x196xf32, #tpu.memory_space<vmem>>, vector<1x256x196xf32>
    %get3A_8 = vector.shape_cast %get3A_7 : vector<1x256x196xf32> to vector<256x196xf32>
    %sub3A = arith.subf %get3A_3, %get3A_8 : vector<256x196xf32>
    %mul3A = arith.mulf %sub3A, %sub3A : vector<256x196xf32>
    %reduce_sum3A = vector.shape_cast %mul3A : vector<256x196xf32> to vector<1x256x196xf32>
    %reduce_sum3A_9 = arith.constant dense<0.000000e+00> : vector<1xf32>
    %reduce_sum3A_10 = vector.multi_reduction <add>, %reduce_sum3A, %reduce_sum3A_9 [1, 2] : vector<1x256x196xf32> to vector<1xf32>
    %reduce_sum3A_11 = vector.shape_cast %reduce_sum3A_10 : vector<1xf32> to vector<1x1x1xf32>
    %reduce_sum3A_12 = vector.extract %reduce_sum3A_11[0, 0, 0] : f32 from vector<1x1x1xf32>
    %mul3A_13 = arith.constant 1.55701935E-6 : f32
    %mul3A_14 = arith.mulf %mul3A_13, %reduce_sum3A_12 : f32
    %reshape3A = vector.broadcast %mul3A_14 : f32 to vector<1x1xf32>
    %swap3A = arith.constant 0 : index
    %swap3A_15 = arith.constant 0 : index
    %swap3A_16 = arith.constant 0 : index
    %swap3A_17 = vector.load %arg3[%swap3A, %swap3A_15, %swap3A_16] : memref<1x1x1xf32, #tpu.memory_space<vmem>>, vector<1x1x1xf32>
    %swap3A_18 = vector.shape_cast %swap3A_17 : vector<1x1x1xf32> to vector<1x1xf32>
    %swap3A_19 = vector.shape_cast %reshape3A : vector<1x1xf32> to vector<1x1x1xf32>
    tpu.vector_store %arg3[%swap3A, %swap3A_15, %swap3A_16], %swap3A_19 {strides = array<i32>} : memref<1x1x1xf32, #tpu.memory_space<vmem>>, vector<1x1x1xf32>,
    %transpose3A = tpu.transpose %get3A_3, [1, 0] : vector<256x196xf32> -> vector<196x256xf32>
    %convert_element_type3A = arith.truncf %transpose3A : vector<196x256xf32> to vector<196x256xbf16>
    %swap3A_20 = arith.constant 0 : index
    %swap3A_21 = arith.constant 0 : index
    %swap3A_22 = arith.constant 0 : index
    %swap3A_23 = vector.load %arg4[%swap3A_20, %swap3A_21, %swap3A_22] : memref<1x196x256xbf16, #tpu.memory_space<vmem>>, vector<1x196x256xbf16>
    %swap3A_24 = vector.shape_cast %swap3A_23 : vector<1x196x256xbf16> to vector<196x256xbf16>
    %swap3A_25 = vector.shape_cast %convert_element_type3A : vector<196x256xbf16> to vector<1x196x256xbf16>
    tpu.vector_store %arg4[%swap3A_20, %swap3A_21, %swap3A_22], %swap3A_25 {strides = array<i32>} : memref<1x196x256xbf16, #tpu.memory_space<vmem>>, vector<1x196x256xbf16>,
    return
  }
  func.func @transform_0(%arg0: i32) -> (i32, i32, i32) {
    %c0_i32 = arith.constant 0 : i32
    %c0_i32_0 = arith.constant 0 : i32
    %c0_i32_1 = arith.constant 0 : i32
    return %arg0, %c0_i32, %c0_i32_0 : i32, i32, i32
  }
  func.func @transform_1(%arg0: i32) -> (i32, i32, i32) {
    %c0_i32 = arith.constant 0 : i32
    %c0_i32_0 = arith.constant 0 : i32
    %c0_i32_1 = arith.constant 0 : i32
    return %arg0, %c0_i32, %c0_i32_0 : i32, i32, i32
  }
  func.func @transform_2(%arg0: i32) -> (i32, i32, i32) {
    %c0_i32 = arith.constant 0 : i32
    %c0_i32_0 = arith.constant 0 : i32
    %c0_i32_1 = arith.constant 0 : i32
    return %arg0, %c0_i32, %c0_i32_0 : i32, i32, i32
  }
  func.func @transform_3(%arg0: i32) -> (i32, i32, i32) {
    %c0_i32 = arith.constant 0 : i32
    %c0_i32_0 = arith.constant 0 : i32
    %c0_i32_1 = arith.constant 0 : i32
    return %arg0, %c0_i32, %c0_i32_0 : i32, i32, i32
  }
}

module attributes {stable_mosaic.version = 14 : i64} {
  func.func @_dec_body(%arg0: i32, %arg1: memref<1x272x256xbf16, #tpu.memory_space<vmem>>, %arg2: memref<9x256x512xbf16, #tpu.memory_space<vmem>>, %arg3: memref<1x512xf32, #tpu.memory_space<vmem>>, %arg4: memref<1x28x28x128xbf16, #tpu.memory_space<vmem>>) attributes {dimension_semantics = [#tpu.dimension_semantics<arbitrary>], iteration_bounds = array<i64: 16>, scalar_prefetch = 0 : i64, scratch_operands = 0 : i64, tpu.core_type = #tpu.core_type<tc>, window_params = [{transform_indices = @transform_0, window_bounds = array<i64: 1, 272, 256>}, {pipeline_mode = #tpu.pipeline_mode<synchronous>, transform_indices = @transform_1, window_bounds = array<i64: 9, 256, 512>}, {pipeline_mode = #tpu.pipeline_mode<synchronous>, transform_indices = @transform_2, window_bounds = array<i64: 1, 512>}, {transform_indices = @transform_3, window_bounds = array<i64: 1, 28, 28, 128>}]} {
    %get3A = arith.constant 0 : index
    %get3A_0 = arith.constant 0 : index
    %get3A_1 = arith.constant 0 : index
    %get3A_2 = vector.load %arg1[%get3A, %get3A_0, %get3A_1] : memref<1x272x256xbf16, #tpu.memory_space<vmem>>, vector<1x224x256xbf16>
    %get3A_3 = vector.shape_cast %get3A_2 : vector<1x224x256xbf16> to vector<224x256xbf16>
    %get3A_4 = arith.constant 0 : index
    %get3A_5 = arith.constant 0 : index
    %get3A_6 = arith.constant 0 : index
    %get3A_7 = vector.load %arg2[%get3A_4, %get3A_5, %get3A_6] : memref<9x256x512xbf16, #tpu.memory_space<vmem>>, vector<1x256x512xbf16>
    %get3A_8 = vector.shape_cast %get3A_7 : vector<1x256x512xbf16> to vector<256x512xbf16>
    %dot_general3A = arith.constant dense<0.000000e+00> : vector<224x512xf32>
    %dot_general3A_9 = tpu.matmul %get3A_3, %get3A_8, %dot_general3A {dimension_numbers = #tpu.dot_dimension_numbers<[1], [0], [0], [1], [0, 0, 1, 1], [], []>, transpose_lhs_hint = false} : vector<224x256xbf16>, vector<256x512xbf16>, vector<224x512xf32> -> vector<224x512xf32>
    %get3A_10 = arith.constant 0 : index
    %get3A_11 = arith.constant 1 : index
    %get3A_12 = arith.constant 0 : index
    %get3A_13 = vector.load %arg1[%get3A_10, %get3A_11, %get3A_12] : memref<1x272x256xbf16, #tpu.memory_space<vmem>>, vector<1x224x256xbf16>
    %get3A_14 = vector.shape_cast %get3A_13 : vector<1x224x256xbf16> to vector<224x256xbf16>
    %get3A_15 = arith.constant 1 : index
    %get3A_16 = arith.constant 0 : index
    %get3A_17 = arith.constant 0 : index
    %get3A_18 = vector.load %arg2[%get3A_15, %get3A_16, %get3A_17] : memref<9x256x512xbf16, #tpu.memory_space<vmem>>, vector<1x256x512xbf16>
    %get3A_19 = vector.shape_cast %get3A_18 : vector<1x256x512xbf16> to vector<256x512xbf16>
    %dot_general3A_20 = arith.constant dense<0.000000e+00> : vector<224x512xf32>
    %dot_general3A_21 = tpu.matmul %get3A_14, %get3A_19, %dot_general3A_20 {dimension_numbers = #tpu.dot_dimension_numbers<[1], [0], [0], [1], [0, 0, 1, 1], [], []>, transpose_lhs_hint = false} : vector<224x256xbf16>, vector<256x512xbf16>, vector<224x512xf32> -> vector<224x512xf32>
    %add3A = arith.addf %dot_general3A_9, %dot_general3A_21 : vector<224x512xf32>
    %get3A_22 = arith.constant 0 : index
    %get3A_23 = arith.constant 2 : index
    %get3A_24 = arith.constant 0 : index
    %get3A_25 = vector.load %arg1[%get3A_22, %get3A_23, %get3A_24] : memref<1x272x256xbf16, #tpu.memory_space<vmem>>, vector<1x224x256xbf16>
    %get3A_26 = vector.shape_cast %get3A_25 : vector<1x224x256xbf16> to vector<224x256xbf16>
    %get3A_27 = arith.constant 2 : index
    %get3A_28 = arith.constant 0 : index
    %get3A_29 = arith.constant 0 : index
    %get3A_30 = vector.load %arg2[%get3A_27, %get3A_28, %get3A_29] : memref<9x256x512xbf16, #tpu.memory_space<vmem>>, vector<1x256x512xbf16>
    %get3A_31 = vector.shape_cast %get3A_30 : vector<1x256x512xbf16> to vector<256x512xbf16>
    %dot_general3A_32 = arith.constant dense<0.000000e+00> : vector<224x512xf32>
    %dot_general3A_33 = tpu.matmul %get3A_26, %get3A_31, %dot_general3A_32 {dimension_numbers = #tpu.dot_dimension_numbers<[1], [0], [0], [1], [0, 0, 1, 1], [], []>, transpose_lhs_hint = false} : vector<224x256xbf16>, vector<256x512xbf16>, vector<224x512xf32> -> vector<224x512xf32>
    %add3A_34 = arith.addf %add3A, %dot_general3A_33 : vector<224x512xf32>
    %get3A_35 = arith.constant 0 : index
    %get3A_36 = arith.constant 16 : index
    %get3A_37 = arith.constant 0 : index
    %get3A_38 = vector.load %arg1[%get3A_35, %get3A_36, %get3A_37] : memref<1x272x256xbf16, #tpu.memory_space<vmem>>, vector<1x224x256xbf16>
    %get3A_39 = vector.shape_cast %get3A_38 : vector<1x224x256xbf16> to vector<224x256xbf16>
    %get3A_40 = arith.constant 3 : index
    %get3A_41 = arith.constant 0 : index
    %get3A_42 = arith.constant 0 : index
    %get3A_43 = vector.load %arg2[%get3A_40, %get3A_41, %get3A_42] : memref<9x256x512xbf16, #tpu.memory_space<vmem>>, vector<1x256x512xbf16>
    %get3A_44 = vector.shape_cast %get3A_43 : vector<1x256x512xbf16> to vector<256x512xbf16>
    %dot_general3A_45 = arith.constant dense<0.000000e+00> : vector<224x512xf32>
    %dot_general3A_46 = tpu.matmul %get3A_39, %get3A_44, %dot_general3A_45 {dimension_numbers = #tpu.dot_dimension_numbers<[1], [0], [0], [1], [0, 0, 1, 1], [], []>, transpose_lhs_hint = false} : vector<224x256xbf16>, vector<256x512xbf16>, vector<224x512xf32> -> vector<224x512xf32>
    %add3A_47 = arith.addf %add3A_34, %dot_general3A_46 : vector<224x512xf32>
    %get3A_48 = arith.constant 0 : index
    %get3A_49 = arith.constant 17 : index
    %get3A_50 = arith.constant 0 : index
    %get3A_51 = vector.load %arg1[%get3A_48, %get3A_49, %get3A_50] : memref<1x272x256xbf16, #tpu.memory_space<vmem>>, vector<1x224x256xbf16>
    %get3A_52 = vector.shape_cast %get3A_51 : vector<1x224x256xbf16> to vector<224x256xbf16>
    %get3A_53 = arith.constant 4 : index
    %get3A_54 = arith.constant 0 : index
    %get3A_55 = arith.constant 0 : index
    %get3A_56 = vector.load %arg2[%get3A_53, %get3A_54, %get3A_55] : memref<9x256x512xbf16, #tpu.memory_space<vmem>>, vector<1x256x512xbf16>
    %get3A_57 = vector.shape_cast %get3A_56 : vector<1x256x512xbf16> to vector<256x512xbf16>
    %dot_general3A_58 = arith.constant dense<0.000000e+00> : vector<224x512xf32>
    %dot_general3A_59 = tpu.matmul %get3A_52, %get3A_57, %dot_general3A_58 {dimension_numbers = #tpu.dot_dimension_numbers<[1], [0], [0], [1], [0, 0, 1, 1], [], []>, transpose_lhs_hint = false} : vector<224x256xbf16>, vector<256x512xbf16>, vector<224x512xf32> -> vector<224x512xf32>
    %add3A_60 = arith.addf %add3A_47, %dot_general3A_59 : vector<224x512xf32>
    %get3A_61 = arith.constant 0 : index
    %get3A_62 = arith.constant 18 : index
    %get3A_63 = arith.constant 0 : index
    %get3A_64 = vector.load %arg1[%get3A_61, %get3A_62, %get3A_63] : memref<1x272x256xbf16, #tpu.memory_space<vmem>>, vector<1x224x256xbf16>
    %get3A_65 = vector.shape_cast %get3A_64 : vector<1x224x256xbf16> to vector<224x256xbf16>
    %get3A_66 = arith.constant 5 : index
    %get3A_67 = arith.constant 0 : index
    %get3A_68 = arith.constant 0 : index
    %get3A_69 = vector.load %arg2[%get3A_66, %get3A_67, %get3A_68] : memref<9x256x512xbf16, #tpu.memory_space<vmem>>, vector<1x256x512xbf16>
    %get3A_70 = vector.shape_cast %get3A_69 : vector<1x256x512xbf16> to vector<256x512xbf16>
    %dot_general3A_71 = arith.constant dense<0.000000e+00> : vector<224x512xf32>
    %dot_general3A_72 = tpu.matmul %get3A_65, %get3A_70, %dot_general3A_71 {dimension_numbers = #tpu.dot_dimension_numbers<[1], [0], [0], [1], [0, 0, 1, 1], [], []>, transpose_lhs_hint = false} : vector<224x256xbf16>, vector<256x512xbf16>, vector<224x512xf32> -> vector<224x512xf32>
    %add3A_73 = arith.addf %add3A_60, %dot_general3A_72 : vector<224x512xf32>
    %get3A_74 = arith.constant 0 : index
    %get3A_75 = arith.constant 32 : index
    %get3A_76 = arith.constant 0 : index
    %get3A_77 = vector.load %arg1[%get3A_74, %get3A_75, %get3A_76] : memref<1x272x256xbf16, #tpu.memory_space<vmem>>, vector<1x224x256xbf16>
    %get3A_78 = vector.shape_cast %get3A_77 : vector<1x224x256xbf16> to vector<224x256xbf16>
    %get3A_79 = arith.constant 6 : index
    %get3A_80 = arith.constant 0 : index
    %get3A_81 = arith.constant 0 : index
    %get3A_82 = vector.load %arg2[%get3A_79, %get3A_80, %get3A_81] : memref<9x256x512xbf16, #tpu.memory_space<vmem>>, vector<1x256x512xbf16>
    %get3A_83 = vector.shape_cast %get3A_82 : vector<1x256x512xbf16> to vector<256x512xbf16>
    %dot_general3A_84 = arith.constant dense<0.000000e+00> : vector<224x512xf32>
    %dot_general3A_85 = tpu.matmul %get3A_78, %get3A_83, %dot_general3A_84 {dimension_numbers = #tpu.dot_dimension_numbers<[1], [0], [0], [1], [0, 0, 1, 1], [], []>, transpose_lhs_hint = false} : vector<224x256xbf16>, vector<256x512xbf16>, vector<224x512xf32> -> vector<224x512xf32>
    %add3A_86 = arith.addf %add3A_73, %dot_general3A_85 : vector<224x512xf32>
    %get3A_87 = arith.constant 0 : index
    %get3A_88 = arith.constant 33 : index
    %get3A_89 = arith.constant 0 : index
    %get3A_90 = vector.load %arg1[%get3A_87, %get3A_88, %get3A_89] : memref<1x272x256xbf16, #tpu.memory_space<vmem>>, vector<1x224x256xbf16>
    %get3A_91 = vector.shape_cast %get3A_90 : vector<1x224x256xbf16> to vector<224x256xbf16>
    %get3A_92 = arith.constant 7 : index
    %get3A_93 = arith.constant 0 : index
    %get3A_94 = arith.constant 0 : index
    %get3A_95 = vector.load %arg2[%get3A_92, %get3A_93, %get3A_94] : memref<9x256x512xbf16, #tpu.memory_space<vmem>>, vector<1x256x512xbf16>
    %get3A_96 = vector.shape_cast %get3A_95 : vector<1x256x512xbf16> to vector<256x512xbf16>
    %dot_general3A_97 = arith.constant dense<0.000000e+00> : vector<224x512xf32>
    %dot_general3A_98 = tpu.matmul %get3A_91, %get3A_96, %dot_general3A_97 {dimension_numbers = #tpu.dot_dimension_numbers<[1], [0], [0], [1], [0, 0, 1, 1], [], []>, transpose_lhs_hint = false} : vector<224x256xbf16>, vector<256x512xbf16>, vector<224x512xf32> -> vector<224x512xf32>
    %add3A_99 = arith.addf %add3A_86, %dot_general3A_98 : vector<224x512xf32>
    %get3A_100 = arith.constant 0 : index
    %get3A_101 = arith.constant 34 : index
    %get3A_102 = arith.constant 0 : index
    %get3A_103 = vector.load %arg1[%get3A_100, %get3A_101, %get3A_102] : memref<1x272x256xbf16, #tpu.memory_space<vmem>>, vector<1x224x256xbf16>
    %get3A_104 = vector.shape_cast %get3A_103 : vector<1x224x256xbf16> to vector<224x256xbf16>
    %get3A_105 = arith.constant 8 : index
    %get3A_106 = arith.constant 0 : index
    %get3A_107 = arith.constant 0 : index
    %get3A_108 = vector.load %arg2[%get3A_105, %get3A_106, %get3A_107] : memref<9x256x512xbf16, #tpu.memory_space<vmem>>, vector<1x256x512xbf16>
    %get3A_109 = vector.shape_cast %get3A_108 : vector<1x256x512xbf16> to vector<256x512xbf16>
    %dot_general3A_110 = arith.constant dense<0.000000e+00> : vector<224x512xf32>
    %dot_general3A_111 = tpu.matmul %get3A_104, %get3A_109, %dot_general3A_110 {dimension_numbers = #tpu.dot_dimension_numbers<[1], [0], [0], [1], [0, 0, 1, 1], [], []>, transpose_lhs_hint = false} : vector<224x256xbf16>, vector<256x512xbf16>, vector<224x512xf32> -> vector<224x512xf32>
    %add3A_112 = arith.addf %add3A_99, %dot_general3A_111 : vector<224x512xf32>
    %get3A_113 = arith.constant 0 : index
    %get3A_114 = arith.constant 0 : index
    %get3A_115 = vector.load %arg3[%get3A_113, %get3A_114] : memref<1x512xf32, #tpu.memory_space<vmem>>, vector<1x512xf32>
    %add3A_116 = vector.broadcast %get3A_115 : vector<1x512xf32> to vector<224x512xf32>
    %add3A_117 = arith.addf %add3A_112, %add3A_116 : vector<224x512xf32>
    %max3A = arith.constant 0.000000e+00 : f32
    %max3A_118 = vector.broadcast %max3A : f32 to vector<224x512xf32>
    %max3A_119 = arith.maximumf %add3A_117, %max3A_118 : vector<224x512xf32>
    %convert_element_type3A = arith.truncf %max3A_119 : vector<224x512xf32> to vector<224x512xbf16>
    %reshape3A = vector.shape_cast %convert_element_type3A : vector<224x512xbf16> to vector<14x16x2x2x128xbf16>
    %transpose3A = tpu.transpose %reshape3A, [0, 2, 1, 3, 4] : vector<14x16x2x2x128xbf16> -> vector<14x2x16x2x128xbf16>
    %reshape3A_120 = vector.shape_cast %transpose3A : vector<14x2x16x2x128xbf16> to vector<28x32x128xbf16>
    %slice3A = vector.extract_strided_slice %reshape3A_120 {offsets = [0, 0, 0], sizes = [28, 28, 128], strides = [1, 1, 1]} : vector<28x32x128xbf16> to vector<28x28x128xbf16>
    %swap3A = arith.constant 0 : index
    %swap3A_121 = arith.constant 0 : index
    %swap3A_122 = arith.constant 0 : index
    %swap3A_123 = arith.constant 0 : index
    %swap3A_124 = vector.load %arg4[%swap3A, %swap3A_121, %swap3A_122, %swap3A_123] : memref<1x28x28x128xbf16, #tpu.memory_space<vmem>>, vector<1x28x28x128xbf16>
    %swap3A_125 = vector.shape_cast %swap3A_124 : vector<1x28x28x128xbf16> to vector<28x28x128xbf16>
    %swap3A_126 = vector.shape_cast %slice3A : vector<28x28x128xbf16> to vector<1x28x28x128xbf16>
    tpu.vector_store %arg4[%swap3A, %swap3A_121, %swap3A_122, %swap3A_123], %swap3A_126 {strides = array<i32>} : memref<1x28x28x128xbf16, #tpu.memory_space<vmem>>, vector<1x28x28x128xbf16>,
    return
  }
  func.func @transform_0(%arg0: i32) -> (i32, i32, i32) {
    %c0_i32 = arith.constant 0 : i32
    %c0_i32_0 = arith.constant 0 : i32
    %c0_i32_1 = arith.constant 0 : i32
    return %arg0, %c0_i32, %c0_i32_0 : i32, i32, i32
  }
  func.func @transform_1(%arg0: i32) -> (i32, i32, i32) {
    %c0_i32 = arith.constant 0 : i32
    %c0_i32_0 = arith.constant 0 : i32
    %c0_i32_1 = arith.constant 0 : i32
    %c0_i32_2 = arith.constant 0 : i32
    return %c0_i32, %c0_i32_0, %c0_i32_1 : i32, i32, i32
  }
  func.func @transform_2(%arg0: i32) -> (i32, i32) {
    %c0_i32 = arith.constant 0 : i32
    %c0_i32_0 = arith.constant 0 : i32
    %c0_i32_1 = arith.constant 0 : i32
    return %c0_i32, %c0_i32_0 : i32, i32
  }
  func.func @transform_3(%arg0: i32) -> (i32, i32, i32, i32) {
    %c0_i32 = arith.constant 0 : i32
    %c0_i32_0 = arith.constant 0 : i32
    %c0_i32_1 = arith.constant 0 : i32
    %c0_i32_2 = arith.constant 0 : i32
    return %arg0, %c0_i32, %c0_i32_0, %c0_i32_1 : i32, i32, i32, i32
  }
}

module attributes {stable_mosaic.version = 14 : i64} {
  func.func @_dec_body(%arg0: i32, %arg1: memref<1x930x128xbf16, #tpu.memory_space<vmem>>, %arg2: memref<9x128x256xbf16, #tpu.memory_space<vmem>>, %arg3: memref<1x256xf32, #tpu.memory_space<vmem>>, %arg4: memref<1x56x56x64xbf16, #tpu.memory_space<vmem>>) attributes {dimension_semantics = [#tpu.dimension_semantics<arbitrary>], iteration_bounds = array<i64: 16>, scalar_prefetch = 0 : i64, scratch_operands = 0 : i64, tpu.core_type = #tpu.core_type<tc>, window_params = [{transform_indices = @transform_0, window_bounds = array<i64: 1, 930, 128>}, {pipeline_mode = #tpu.pipeline_mode<synchronous>, transform_indices = @transform_1, window_bounds = array<i64: 9, 128, 256>}, {pipeline_mode = #tpu.pipeline_mode<synchronous>, transform_indices = @transform_2, window_bounds = array<i64: 1, 256>}, {transform_indices = @transform_3, window_bounds = array<i64: 1, 56, 56, 64>}]} {
    %get3A = arith.constant 0 : index
    %get3A_0 = arith.constant 0 : index
    %get3A_1 = arith.constant 0 : index
    %get3A_2 = vector.load %arg1[%get3A, %get3A_0, %get3A_1] : memref<1x930x128xbf16, #tpu.memory_space<vmem>>, vector<1x840x128xbf16>
    %get3A_3 = vector.shape_cast %get3A_2 : vector<1x840x128xbf16> to vector<840x128xbf16>
    %get3A_4 = arith.constant 0 : index
    %get3A_5 = arith.constant 0 : index
    %get3A_6 = arith.constant 0 : index
    %get3A_7 = vector.load %arg2[%get3A_4, %get3A_5, %get3A_6] : memref<9x128x256xbf16, #tpu.memory_space<vmem>>, vector<1x128x256xbf16>
    %get3A_8 = vector.shape_cast %get3A_7 : vector<1x128x256xbf16> to vector<128x256xbf16>
    %dot_general3A = arith.constant dense<0.000000e+00> : vector<840x256xf32>
    %dot_general3A_9 = tpu.matmul %get3A_3, %get3A_8, %dot_general3A {dimension_numbers = #tpu.dot_dimension_numbers<[1], [0], [0], [1], [0, 0, 1, 1], [], []>, transpose_lhs_hint = false} : vector<840x128xbf16>, vector<128x256xbf16>, vector<840x256xf32> -> vector<840x256xf32>
    %get3A_10 = arith.constant 0 : index
    %get3A_11 = arith.constant 1 : index
    %get3A_12 = arith.constant 0 : index
    %get3A_13 = vector.load %arg1[%get3A_10, %get3A_11, %get3A_12] : memref<1x930x128xbf16, #tpu.memory_space<vmem>>, vector<1x840x128xbf16>
    %get3A_14 = vector.shape_cast %get3A_13 : vector<1x840x128xbf16> to vector<840x128xbf16>
    %get3A_15 = arith.constant 1 : index
    %get3A_16 = arith.constant 0 : index
    %get3A_17 = arith.constant 0 : index
    %get3A_18 = vector.load %arg2[%get3A_15, %get3A_16, %get3A_17] : memref<9x128x256xbf16, #tpu.memory_space<vmem>>, vector<1x128x256xbf16>
    %get3A_19 = vector.shape_cast %get3A_18 : vector<1x128x256xbf16> to vector<128x256xbf16>
    %dot_general3A_20 = arith.constant dense<0.000000e+00> : vector<840x256xf32>
    %dot_general3A_21 = tpu.matmul %get3A_14, %get3A_19, %dot_general3A_20 {dimension_numbers = #tpu.dot_dimension_numbers<[1], [0], [0], [1], [0, 0, 1, 1], [], []>, transpose_lhs_hint = false} : vector<840x128xbf16>, vector<128x256xbf16>, vector<840x256xf32> -> vector<840x256xf32>
    %add3A = arith.addf %dot_general3A_9, %dot_general3A_21 : vector<840x256xf32>
    %get3A_22 = arith.constant 0 : index
    %get3A_23 = arith.constant 2 : index
    %get3A_24 = arith.constant 0 : index
    %get3A_25 = vector.load %arg1[%get3A_22, %get3A_23, %get3A_24] : memref<1x930x128xbf16, #tpu.memory_space<vmem>>, vector<1x840x128xbf16>
    %get3A_26 = vector.shape_cast %get3A_25 : vector<1x840x128xbf16> to vector<840x128xbf16>
    %get3A_27 = arith.constant 2 : index
    %get3A_28 = arith.constant 0 : index
    %get3A_29 = arith.constant 0 : index
    %get3A_30 = vector.load %arg2[%get3A_27, %get3A_28, %get3A_29] : memref<9x128x256xbf16, #tpu.memory_space<vmem>>, vector<1x128x256xbf16>
    %get3A_31 = vector.shape_cast %get3A_30 : vector<1x128x256xbf16> to vector<128x256xbf16>
    %dot_general3A_32 = arith.constant dense<0.000000e+00> : vector<840x256xf32>
    %dot_general3A_33 = tpu.matmul %get3A_26, %get3A_31, %dot_general3A_32 {dimension_numbers = #tpu.dot_dimension_numbers<[1], [0], [0], [1], [0, 0, 1, 1], [], []>, transpose_lhs_hint = false} : vector<840x128xbf16>, vector<128x256xbf16>, vector<840x256xf32> -> vector<840x256xf32>
    %add3A_34 = arith.addf %add3A, %dot_general3A_33 : vector<840x256xf32>
    %get3A_35 = arith.constant 0 : index
    %get3A_36 = arith.constant 30 : index
    %get3A_37 = arith.constant 0 : index
    %get3A_38 = vector.load %arg1[%get3A_35, %get3A_36, %get3A_37] : memref<1x930x128xbf16, #tpu.memory_space<vmem>>, vector<1x840x128xbf16>
    %get3A_39 = vector.shape_cast %get3A_38 : vector<1x840x128xbf16> to vector<840x128xbf16>
    %get3A_40 = arith.constant 3 : index
    %get3A_41 = arith.constant 0 : index
    %get3A_42 = arith.constant 0 : index
    %get3A_43 = vector.load %arg2[%get3A_40, %get3A_41, %get3A_42] : memref<9x128x256xbf16, #tpu.memory_space<vmem>>, vector<1x128x256xbf16>
    %get3A_44 = vector.shape_cast %get3A_43 : vector<1x128x256xbf16> to vector<128x256xbf16>
    %dot_general3A_45 = arith.constant dense<0.000000e+00> : vector<840x256xf32>
    %dot_general3A_46 = tpu.matmul %get3A_39, %get3A_44, %dot_general3A_45 {dimension_numbers = #tpu.dot_dimension_numbers<[1], [0], [0], [1], [0, 0, 1, 1], [], []>, transpose_lhs_hint = false} : vector<840x128xbf16>, vector<128x256xbf16>, vector<840x256xf32> -> vector<840x256xf32>
    %add3A_47 = arith.addf %add3A_34, %dot_general3A_46 : vector<840x256xf32>
    %get3A_48 = arith.constant 0 : index
    %get3A_49 = arith.constant 31 : index
    %get3A_50 = arith.constant 0 : index
    %get3A_51 = vector.load %arg1[%get3A_48, %get3A_49, %get3A_50] : memref<1x930x128xbf16, #tpu.memory_space<vmem>>, vector<1x840x128xbf16>
    %get3A_52 = vector.shape_cast %get3A_51 : vector<1x840x128xbf16> to vector<840x128xbf16>
    %get3A_53 = arith.constant 4 : index
    %get3A_54 = arith.constant 0 : index
    %get3A_55 = arith.constant 0 : index
    %get3A_56 = vector.load %arg2[%get3A_53, %get3A_54, %get3A_55] : memref<9x128x256xbf16, #tpu.memory_space<vmem>>, vector<1x128x256xbf16>
    %get3A_57 = vector.shape_cast %get3A_56 : vector<1x128x256xbf16> to vector<128x256xbf16>
    %dot_general3A_58 = arith.constant dense<0.000000e+00> : vector<840x256xf32>
    %dot_general3A_59 = tpu.matmul %get3A_52, %get3A_57, %dot_general3A_58 {dimension_numbers = #tpu.dot_dimension_numbers<[1], [0], [0], [1], [0, 0, 1, 1], [], []>, transpose_lhs_hint = false} : vector<840x128xbf16>, vector<128x256xbf16>, vector<840x256xf32> -> vector<840x256xf32>
    %add3A_60 = arith.addf %add3A_47, %dot_general3A_59 : vector<840x256xf32>
    %get3A_61 = arith.constant 0 : index
    %get3A_62 = arith.constant 32 : index
    %get3A_63 = arith.constant 0 : index
    %get3A_64 = vector.load %arg1[%get3A_61, %get3A_62, %get3A_63] : memref<1x930x128xbf16, #tpu.memory_space<vmem>>, vector<1x840x128xbf16>
    %get3A_65 = vector.shape_cast %get3A_64 : vector<1x840x128xbf16> to vector<840x128xbf16>
    %get3A_66 = arith.constant 5 : index
    %get3A_67 = arith.constant 0 : index
    %get3A_68 = arith.constant 0 : index
    %get3A_69 = vector.load %arg2[%get3A_66, %get3A_67, %get3A_68] : memref<9x128x256xbf16, #tpu.memory_space<vmem>>, vector<1x128x256xbf16>
    %get3A_70 = vector.shape_cast %get3A_69 : vector<1x128x256xbf16> to vector<128x256xbf16>
    %dot_general3A_71 = arith.constant dense<0.000000e+00> : vector<840x256xf32>
    %dot_general3A_72 = tpu.matmul %get3A_65, %get3A_70, %dot_general3A_71 {dimension_numbers = #tpu.dot_dimension_numbers<[1], [0], [0], [1], [0, 0, 1, 1], [], []>, transpose_lhs_hint = false} : vector<840x128xbf16>, vector<128x256xbf16>, vector<840x256xf32> -> vector<840x256xf32>
    %add3A_73 = arith.addf %add3A_60, %dot_general3A_72 : vector<840x256xf32>
    %get3A_74 = arith.constant 0 : index
    %get3A_75 = arith.constant 60 : index
    %get3A_76 = arith.constant 0 : index
    %get3A_77 = vector.load %arg1[%get3A_74, %get3A_75, %get3A_76] : memref<1x930x128xbf16, #tpu.memory_space<vmem>>, vector<1x840x128xbf16>
    %get3A_78 = vector.shape_cast %get3A_77 : vector<1x840x128xbf16> to vector<840x128xbf16>
    %get3A_79 = arith.constant 6 : index
    %get3A_80 = arith.constant 0 : index
    %get3A_81 = arith.constant 0 : index
    %get3A_82 = vector.load %arg2[%get3A_79, %get3A_80, %get3A_81] : memref<9x128x256xbf16, #tpu.memory_space<vmem>>, vector<1x128x256xbf16>
    %get3A_83 = vector.shape_cast %get3A_82 : vector<1x128x256xbf16> to vector<128x256xbf16>
    %dot_general3A_84 = arith.constant dense<0.000000e+00> : vector<840x256xf32>
    %dot_general3A_85 = tpu.matmul %get3A_78, %get3A_83, %dot_general3A_84 {dimension_numbers = #tpu.dot_dimension_numbers<[1], [0], [0], [1], [0, 0, 1, 1], [], []>, transpose_lhs_hint = false} : vector<840x128xbf16>, vector<128x256xbf16>, vector<840x256xf32> -> vector<840x256xf32>
    %add3A_86 = arith.addf %add3A_73, %dot_general3A_85 : vector<840x256xf32>
    %get3A_87 = arith.constant 0 : index
    %get3A_88 = arith.constant 61 : index
    %get3A_89 = arith.constant 0 : index
    %get3A_90 = vector.load %arg1[%get3A_87, %get3A_88, %get3A_89] : memref<1x930x128xbf16, #tpu.memory_space<vmem>>, vector<1x840x128xbf16>
    %get3A_91 = vector.shape_cast %get3A_90 : vector<1x840x128xbf16> to vector<840x128xbf16>
    %get3A_92 = arith.constant 7 : index
    %get3A_93 = arith.constant 0 : index
    %get3A_94 = arith.constant 0 : index
    %get3A_95 = vector.load %arg2[%get3A_92, %get3A_93, %get3A_94] : memref<9x128x256xbf16, #tpu.memory_space<vmem>>, vector<1x128x256xbf16>
    %get3A_96 = vector.shape_cast %get3A_95 : vector<1x128x256xbf16> to vector<128x256xbf16>
    %dot_general3A_97 = arith.constant dense<0.000000e+00> : vector<840x256xf32>
    %dot_general3A_98 = tpu.matmul %get3A_91, %get3A_96, %dot_general3A_97 {dimension_numbers = #tpu.dot_dimension_numbers<[1], [0], [0], [1], [0, 0, 1, 1], [], []>, transpose_lhs_hint = false} : vector<840x128xbf16>, vector<128x256xbf16>, vector<840x256xf32> -> vector<840x256xf32>
    %add3A_99 = arith.addf %add3A_86, %dot_general3A_98 : vector<840x256xf32>
    %get3A_100 = arith.constant 0 : index
    %get3A_101 = arith.constant 62 : index
    %get3A_102 = arith.constant 0 : index
    %get3A_103 = vector.load %arg1[%get3A_100, %get3A_101, %get3A_102] : memref<1x930x128xbf16, #tpu.memory_space<vmem>>, vector<1x840x128xbf16>
    %get3A_104 = vector.shape_cast %get3A_103 : vector<1x840x128xbf16> to vector<840x128xbf16>
    %get3A_105 = arith.constant 8 : index
    %get3A_106 = arith.constant 0 : index
    %get3A_107 = arith.constant 0 : index
    %get3A_108 = vector.load %arg2[%get3A_105, %get3A_106, %get3A_107] : memref<9x128x256xbf16, #tpu.memory_space<vmem>>, vector<1x128x256xbf16>
    %get3A_109 = vector.shape_cast %get3A_108 : vector<1x128x256xbf16> to vector<128x256xbf16>
    %dot_general3A_110 = arith.constant dense<0.000000e+00> : vector<840x256xf32>
    %dot_general3A_111 = tpu.matmul %get3A_104, %get3A_109, %dot_general3A_110 {dimension_numbers = #tpu.dot_dimension_numbers<[1], [0], [0], [1], [0, 0, 1, 1], [], []>, transpose_lhs_hint = false} : vector<840x128xbf16>, vector<128x256xbf16>, vector<840x256xf32> -> vector<840x256xf32>
    %add3A_112 = arith.addf %add3A_99, %dot_general3A_111 : vector<840x256xf32>
    %get3A_113 = arith.constant 0 : index
    %get3A_114 = arith.constant 0 : index
    %get3A_115 = vector.load %arg3[%get3A_113, %get3A_114] : memref<1x256xf32, #tpu.memory_space<vmem>>, vector<1x256xf32>
    %add3A_116 = vector.broadcast %get3A_115 : vector<1x256xf32> to vector<840x256xf32>
    %add3A_117 = arith.addf %add3A_112, %add3A_116 : vector<840x256xf32>
    %max3A = arith.constant 0.000000e+00 : f32
    %max3A_118 = vector.broadcast %max3A : f32 to vector<840x256xf32>
    %max3A_119 = arith.maximumf %add3A_117, %max3A_118 : vector<840x256xf32>
    %convert_element_type3A = arith.truncf %max3A_119 : vector<840x256xf32> to vector<840x256xbf16>
    %reshape3A = vector.shape_cast %convert_element_type3A : vector<840x256xbf16> to vector<28x30x2x2x64xbf16>
    %transpose3A = tpu.transpose %reshape3A, [0, 2, 1, 3, 4] : vector<28x30x2x2x64xbf16> -> vector<28x2x30x2x64xbf16>
    %reshape3A_120 = vector.shape_cast %transpose3A : vector<28x2x30x2x64xbf16> to vector<56x60x64xbf16>
    %slice3A = vector.extract_strided_slice %reshape3A_120 {offsets = [0, 0, 0], sizes = [56, 56, 64], strides = [1, 1, 1]} : vector<56x60x64xbf16> to vector<56x56x64xbf16>
    %swap3A = arith.constant 0 : index
    %swap3A_121 = arith.constant 0 : index
    %swap3A_122 = arith.constant 0 : index
    %swap3A_123 = arith.constant 0 : index
    %swap3A_124 = vector.load %arg4[%swap3A, %swap3A_121, %swap3A_122, %swap3A_123] : memref<1x56x56x64xbf16, #tpu.memory_space<vmem>>, vector<1x56x56x64xbf16>
    %swap3A_125 = vector.shape_cast %swap3A_124 : vector<1x56x56x64xbf16> to vector<56x56x64xbf16>
    %swap3A_126 = vector.shape_cast %slice3A : vector<56x56x64xbf16> to vector<1x56x56x64xbf16>
    tpu.vector_store %arg4[%swap3A, %swap3A_121, %swap3A_122, %swap3A_123], %swap3A_126 {strides = array<i32>} : memref<1x56x56x64xbf16, #tpu.memory_space<vmem>>, vector<1x56x56x64xbf16>,
    return
  }
  func.func @transform_0(%arg0: i32) -> (i32, i32, i32) {
    %c0_i32 = arith.constant 0 : i32
    %c0_i32_0 = arith.constant 0 : i32
    %c0_i32_1 = arith.constant 0 : i32
    return %arg0, %c0_i32, %c0_i32_0 : i32, i32, i32
  }
  func.func @transform_1(%arg0: i32) -> (i32, i32, i32) {
    %c0_i32 = arith.constant 0 : i32
    %c0_i32_0 = arith.constant 0 : i32
    %c0_i32_1 = arith.constant 0 : i32
    %c0_i32_2 = arith.constant 0 : i32
    return %c0_i32, %c0_i32_0, %c0_i32_1 : i32, i32, i32
  }
  func.func @transform_2(%arg0: i32) -> (i32, i32) {
    %c0_i32 = arith.constant 0 : i32
    %c0_i32_0 = arith.constant 0 : i32
    %c0_i32_1 = arith.constant 0 : i32
    return %c0_i32, %c0_i32_0 : i32, i32
  }
  func.func @transform_3(%arg0: i32) -> (i32, i32, i32, i32) {
    %c0_i32 = arith.constant 0 : i32
    %c0_i32_0 = arith.constant 0 : i32
    %c0_i32_1 = arith.constant 0 : i32
    %c0_i32_2 = arith.constant 0 : i32
    return %arg0, %c0_i32, %c0_i32_0, %c0_i32_1 : i32, i32, i32, i32
  }
}

module attributes {stable_mosaic.version = 14 : i64} {
  func.func @_dec_body(%arg0: i32, %arg1: memref<1x3422x64xbf16, #tpu.memory_space<vmem>>, %arg2: memref<9x64x128xbf16, #tpu.memory_space<vmem>>, %arg3: memref<1x128xf32, #tpu.memory_space<vmem>>, %arg4: memref<1x112x112x32xbf16, #tpu.memory_space<vmem>>) attributes {dimension_semantics = [#tpu.dimension_semantics<arbitrary>], iteration_bounds = array<i64: 16>, scalar_prefetch = 0 : i64, scratch_operands = 0 : i64, tpu.core_type = #tpu.core_type<tc>, window_params = [{transform_indices = @transform_0, window_bounds = array<i64: 1, 3422, 64>}, {pipeline_mode = #tpu.pipeline_mode<synchronous>, transform_indices = @transform_1, window_bounds = array<i64: 9, 64, 128>}, {pipeline_mode = #tpu.pipeline_mode<synchronous>, transform_indices = @transform_2, window_bounds = array<i64: 1, 128>}, {transform_indices = @transform_3, window_bounds = array<i64: 1, 112, 112, 32>}]} {
    %get3A = arith.constant 0 : index
    %get3A_0 = arith.constant 0 : index
    %get3A_1 = arith.constant 0 : index
    %get3A_2 = vector.load %arg1[%get3A, %get3A_0, %get3A_1] : memref<1x3422x64xbf16, #tpu.memory_space<vmem>>, vector<1x3248x64xbf16>
    %get3A_3 = vector.shape_cast %get3A_2 : vector<1x3248x64xbf16> to vector<3248x64xbf16>
    %get3A_4 = arith.constant 0 : index
    %get3A_5 = arith.constant 0 : index
    %get3A_6 = arith.constant 0 : index
    %get3A_7 = vector.load %arg2[%get3A_4, %get3A_5, %get3A_6] : memref<9x64x128xbf16, #tpu.memory_space<vmem>>, vector<1x64x128xbf16>
    %get3A_8 = vector.shape_cast %get3A_7 : vector<1x64x128xbf16> to vector<64x128xbf16>
    %dot_general3A = arith.constant dense<0.000000e+00> : vector<3248x128xf32>
    %dot_general3A_9 = tpu.matmul %get3A_3, %get3A_8, %dot_general3A {dimension_numbers = #tpu.dot_dimension_numbers<[1], [0], [0], [1], [0, 0, 1, 1], [], []>, transpose_lhs_hint = false} : vector<3248x64xbf16>, vector<64x128xbf16>, vector<3248x128xf32> -> vector<3248x128xf32>
    %get3A_10 = arith.constant 0 : index
    %get3A_11 = arith.constant 1 : index
    %get3A_12 = arith.constant 0 : index
    %get3A_13 = vector.load %arg1[%get3A_10, %get3A_11, %get3A_12] : memref<1x3422x64xbf16, #tpu.memory_space<vmem>>, vector<1x3248x64xbf16>
    %get3A_14 = vector.shape_cast %get3A_13 : vector<1x3248x64xbf16> to vector<3248x64xbf16>
    %get3A_15 = arith.constant 1 : index
    %get3A_16 = arith.constant 0 : index
    %get3A_17 = arith.constant 0 : index
    %get3A_18 = vector.load %arg2[%get3A_15, %get3A_16, %get3A_17] : memref<9x64x128xbf16, #tpu.memory_space<vmem>>, vector<1x64x128xbf16>
    %get3A_19 = vector.shape_cast %get3A_18 : vector<1x64x128xbf16> to vector<64x128xbf16>
    %dot_general3A_20 = arith.constant dense<0.000000e+00> : vector<3248x128xf32>
    %dot_general3A_21 = tpu.matmul %get3A_14, %get3A_19, %dot_general3A_20 {dimension_numbers = #tpu.dot_dimension_numbers<[1], [0], [0], [1], [0, 0, 1, 1], [], []>, transpose_lhs_hint = false} : vector<3248x64xbf16>, vector<64x128xbf16>, vector<3248x128xf32> -> vector<3248x128xf32>
    %add3A = arith.addf %dot_general3A_9, %dot_general3A_21 : vector<3248x128xf32>
    %get3A_22 = arith.constant 0 : index
    %get3A_23 = arith.constant 2 : index
    %get3A_24 = arith.constant 0 : index
    %get3A_25 = vector.load %arg1[%get3A_22, %get3A_23, %get3A_24] : memref<1x3422x64xbf16, #tpu.memory_space<vmem>>, vector<1x3248x64xbf16>
    %get3A_26 = vector.shape_cast %get3A_25 : vector<1x3248x64xbf16> to vector<3248x64xbf16>
    %get3A_27 = arith.constant 2 : index
    %get3A_28 = arith.constant 0 : index
    %get3A_29 = arith.constant 0 : index
    %get3A_30 = vector.load %arg2[%get3A_27, %get3A_28, %get3A_29] : memref<9x64x128xbf16, #tpu.memory_space<vmem>>, vector<1x64x128xbf16>
    %get3A_31 = vector.shape_cast %get3A_30 : vector<1x64x128xbf16> to vector<64x128xbf16>
    %dot_general3A_32 = arith.constant dense<0.000000e+00> : vector<3248x128xf32>
    %dot_general3A_33 = tpu.matmul %get3A_26, %get3A_31, %dot_general3A_32 {dimension_numbers = #tpu.dot_dimension_numbers<[1], [0], [0], [1], [0, 0, 1, 1], [], []>, transpose_lhs_hint = false} : vector<3248x64xbf16>, vector<64x128xbf16>, vector<3248x128xf32> -> vector<3248x128xf32>
    %add3A_34 = arith.addf %add3A, %dot_general3A_33 : vector<3248x128xf32>
    %get3A_35 = arith.constant 0 : index
    %get3A_36 = arith.constant 58 : index
    %get3A_37 = arith.constant 0 : index
    %get3A_38 = vector.load %arg1[%get3A_35, %get3A_36, %get3A_37] : memref<1x3422x64xbf16, #tpu.memory_space<vmem>>, vector<1x3248x64xbf16>
    %get3A_39 = vector.shape_cast %get3A_38 : vector<1x3248x64xbf16> to vector<3248x64xbf16>
    %get3A_40 = arith.constant 3 : index
    %get3A_41 = arith.constant 0 : index
    %get3A_42 = arith.constant 0 : index
    %get3A_43 = vector.load %arg2[%get3A_40, %get3A_41, %get3A_42] : memref<9x64x128xbf16, #tpu.memory_space<vmem>>, vector<1x64x128xbf16>
    %get3A_44 = vector.shape_cast %get3A_43 : vector<1x64x128xbf16> to vector<64x128xbf16>
    %dot_general3A_45 = arith.constant dense<0.000000e+00> : vector<3248x128xf32>
    %dot_general3A_46 = tpu.matmul %get3A_39, %get3A_44, %dot_general3A_45 {dimension_numbers = #tpu.dot_dimension_numbers<[1], [0], [0], [1], [0, 0, 1, 1], [], []>, transpose_lhs_hint = false} : vector<3248x64xbf16>, vector<64x128xbf16>, vector<3248x128xf32> -> vector<3248x128xf32>
    %add3A_47 = arith.addf %add3A_34, %dot_general3A_46 : vector<3248x128xf32>
    %get3A_48 = arith.constant 0 : index
    %get3A_49 = arith.constant 59 : index
    %get3A_50 = arith.constant 0 : index
    %get3A_51 = vector.load %arg1[%get3A_48, %get3A_49, %get3A_50] : memref<1x3422x64xbf16, #tpu.memory_space<vmem>>, vector<1x3248x64xbf16>
    %get3A_52 = vector.shape_cast %get3A_51 : vector<1x3248x64xbf16> to vector<3248x64xbf16>
    %get3A_53 = arith.constant 4 : index
    %get3A_54 = arith.constant 0 : index
    %get3A_55 = arith.constant 0 : index
    %get3A_56 = vector.load %arg2[%get3A_53, %get3A_54, %get3A_55] : memref<9x64x128xbf16, #tpu.memory_space<vmem>>, vector<1x64x128xbf16>
    %get3A_57 = vector.shape_cast %get3A_56 : vector<1x64x128xbf16> to vector<64x128xbf16>
    %dot_general3A_58 = arith.constant dense<0.000000e+00> : vector<3248x128xf32>
    %dot_general3A_59 = tpu.matmul %get3A_52, %get3A_57, %dot_general3A_58 {dimension_numbers = #tpu.dot_dimension_numbers<[1], [0], [0], [1], [0, 0, 1, 1], [], []>, transpose_lhs_hint = false} : vector<3248x64xbf16>, vector<64x128xbf16>, vector<3248x128xf32> -> vector<3248x128xf32>
    %add3A_60 = arith.addf %add3A_47, %dot_general3A_59 : vector<3248x128xf32>
    %get3A_61 = arith.constant 0 : index
    %get3A_62 = arith.constant 60 : index
    %get3A_63 = arith.constant 0 : index
    %get3A_64 = vector.load %arg1[%get3A_61, %get3A_62, %get3A_63] : memref<1x3422x64xbf16, #tpu.memory_space<vmem>>, vector<1x3248x64xbf16>
    %get3A_65 = vector.shape_cast %get3A_64 : vector<1x3248x64xbf16> to vector<3248x64xbf16>
    %get3A_66 = arith.constant 5 : index
    %get3A_67 = arith.constant 0 : index
    %get3A_68 = arith.constant 0 : index
    %get3A_69 = vector.load %arg2[%get3A_66, %get3A_67, %get3A_68] : memref<9x64x128xbf16, #tpu.memory_space<vmem>>, vector<1x64x128xbf16>
    %get3A_70 = vector.shape_cast %get3A_69 : vector<1x64x128xbf16> to vector<64x128xbf16>
    %dot_general3A_71 = arith.constant dense<0.000000e+00> : vector<3248x128xf32>
    %dot_general3A_72 = tpu.matmul %get3A_65, %get3A_70, %dot_general3A_71 {dimension_numbers = #tpu.dot_dimension_numbers<[1], [0], [0], [1], [0, 0, 1, 1], [], []>, transpose_lhs_hint = false} : vector<3248x64xbf16>, vector<64x128xbf16>, vector<3248x128xf32> -> vector<3248x128xf32>
    %add3A_73 = arith.addf %add3A_60, %dot_general3A_72 : vector<3248x128xf32>
    %get3A_74 = arith.constant 0 : index
    %get3A_75 = arith.constant 116 : index
    %get3A_76 = arith.constant 0 : index
    %get3A_77 = vector.load %arg1[%get3A_74, %get3A_75, %get3A_76] : memref<1x3422x64xbf16, #tpu.memory_space<vmem>>, vector<1x3248x64xbf16>
    %get3A_78 = vector.shape_cast %get3A_77 : vector<1x3248x64xbf16> to vector<3248x64xbf16>
    %get3A_79 = arith.constant 6 : index
    %get3A_80 = arith.constant 0 : index
    %get3A_81 = arith.constant 0 : index
    %get3A_82 = vector.load %arg2[%get3A_79, %get3A_80, %get3A_81] : memref<9x64x128xbf16, #tpu.memory_space<vmem>>, vector<1x64x128xbf16>
    %get3A_83 = vector.shape_cast %get3A_82 : vector<1x64x128xbf16> to vector<64x128xbf16>
    %dot_general3A_84 = arith.constant dense<0.000000e+00> : vector<3248x128xf32>
    %dot_general3A_85 = tpu.matmul %get3A_78, %get3A_83, %dot_general3A_84 {dimension_numbers = #tpu.dot_dimension_numbers<[1], [0], [0], [1], [0, 0, 1, 1], [], []>, transpose_lhs_hint = false} : vector<3248x64xbf16>, vector<64x128xbf16>, vector<3248x128xf32> -> vector<3248x128xf32>
    %add3A_86 = arith.addf %add3A_73, %dot_general3A_85 : vector<3248x128xf32>
    %get3A_87 = arith.constant 0 : index
    %get3A_88 = arith.constant 117 : index
    %get3A_89 = arith.constant 0 : index
    %get3A_90 = vector.load %arg1[%get3A_87, %get3A_88, %get3A_89] : memref<1x3422x64xbf16, #tpu.memory_space<vmem>>, vector<1x3248x64xbf16>
    %get3A_91 = vector.shape_cast %get3A_90 : vector<1x3248x64xbf16> to vector<3248x64xbf16>
    %get3A_92 = arith.constant 7 : index
    %get3A_93 = arith.constant 0 : index
    %get3A_94 = arith.constant 0 : index
    %get3A_95 = vector.load %arg2[%get3A_92, %get3A_93, %get3A_94] : memref<9x64x128xbf16, #tpu.memory_space<vmem>>, vector<1x64x128xbf16>
    %get3A_96 = vector.shape_cast %get3A_95 : vector<1x64x128xbf16> to vector<64x128xbf16>
    %dot_general3A_97 = arith.constant dense<0.000000e+00> : vector<3248x128xf32>
    %dot_general3A_98 = tpu.matmul %get3A_91, %get3A_96, %dot_general3A_97 {dimension_numbers = #tpu.dot_dimension_numbers<[1], [0], [0], [1], [0, 0, 1, 1], [], []>, transpose_lhs_hint = false} : vector<3248x64xbf16>, vector<64x128xbf16>, vector<3248x128xf32> -> vector<3248x128xf32>
    %add3A_99 = arith.addf %add3A_86, %dot_general3A_98 : vector<3248x128xf32>
    %get3A_100 = arith.constant 0 : index
    %get3A_101 = arith.constant 118 : index
    %get3A_102 = arith.constant 0 : index
    %get3A_103 = vector.load %arg1[%get3A_100, %get3A_101, %get3A_102] : memref<1x3422x64xbf16, #tpu.memory_space<vmem>>, vector<1x3248x64xbf16>
    %get3A_104 = vector.shape_cast %get3A_103 : vector<1x3248x64xbf16> to vector<3248x64xbf16>
    %get3A_105 = arith.constant 8 : index
    %get3A_106 = arith.constant 0 : index
    %get3A_107 = arith.constant 0 : index
    %get3A_108 = vector.load %arg2[%get3A_105, %get3A_106, %get3A_107] : memref<9x64x128xbf16, #tpu.memory_space<vmem>>, vector<1x64x128xbf16>
    %get3A_109 = vector.shape_cast %get3A_108 : vector<1x64x128xbf16> to vector<64x128xbf16>
    %dot_general3A_110 = arith.constant dense<0.000000e+00> : vector<3248x128xf32>
    %dot_general3A_111 = tpu.matmul %get3A_104, %get3A_109, %dot_general3A_110 {dimension_numbers = #tpu.dot_dimension_numbers<[1], [0], [0], [1], [0, 0, 1, 1], [], []>, transpose_lhs_hint = false} : vector<3248x64xbf16>, vector<64x128xbf16>, vector<3248x128xf32> -> vector<3248x128xf32>
    %add3A_112 = arith.addf %add3A_99, %dot_general3A_111 : vector<3248x128xf32>
    %get3A_113 = arith.constant 0 : index
    %get3A_114 = arith.constant 0 : index
    %get3A_115 = vector.load %arg3[%get3A_113, %get3A_114] : memref<1x128xf32, #tpu.memory_space<vmem>>, vector<1x128xf32>
    %add3A_116 = vector.broadcast %get3A_115 : vector<1x128xf32> to vector<3248x128xf32>
    %add3A_117 = arith.addf %add3A_112, %add3A_116 : vector<3248x128xf32>
    %max3A = arith.constant 0.000000e+00 : f32
    %max3A_118 = vector.broadcast %max3A : f32 to vector<3248x128xf32>
    %max3A_119 = arith.maximumf %add3A_117, %max3A_118 : vector<3248x128xf32>
    %convert_element_type3A = arith.truncf %max3A_119 : vector<3248x128xf32> to vector<3248x128xbf16>
    %reshape3A = vector.shape_cast %convert_element_type3A : vector<3248x128xbf16> to vector<56x58x2x2x32xbf16>
    %transpose3A = tpu.transpose %reshape3A, [0, 2, 1, 3, 4] : vector<56x58x2x2x32xbf16> -> vector<56x2x58x2x32xbf16>
    %reshape3A_120 = vector.shape_cast %transpose3A : vector<56x2x58x2x32xbf16> to vector<112x116x32xbf16>
    %slice3A = vector.extract_strided_slice %reshape3A_120 {offsets = [0, 0, 0], sizes = [112, 112, 32], strides = [1, 1, 1]} : vector<112x116x32xbf16> to vector<112x112x32xbf16>
    %swap3A = arith.constant 0 : index
    %swap3A_121 = arith.constant 0 : index
    %swap3A_122 = arith.constant 0 : index
    %swap3A_123 = arith.constant 0 : index
    %swap3A_124 = vector.load %arg4[%swap3A, %swap3A_121, %swap3A_122, %swap3A_123] : memref<1x112x112x32xbf16, #tpu.memory_space<vmem>>, vector<1x112x112x32xbf16>
    %swap3A_125 = vector.shape_cast %swap3A_124 : vector<1x112x112x32xbf16> to vector<112x112x32xbf16>
    %swap3A_126 = vector.shape_cast %slice3A : vector<112x112x32xbf16> to vector<1x112x112x32xbf16>
    tpu.vector_store %arg4[%swap3A, %swap3A_121, %swap3A_122, %swap3A_123], %swap3A_126 {strides = array<i32>} : memref<1x112x112x32xbf16, #tpu.memory_space<vmem>>, vector<1x112x112x32xbf16>,
    return
  }
  func.func @transform_0(%arg0: i32) -> (i32, i32, i32) {
    %c0_i32 = arith.constant 0 : i32
    %c0_i32_0 = arith.constant 0 : i32
    %c0_i32_1 = arith.constant 0 : i32
    return %arg0, %c0_i32, %c0_i32_0 : i32, i32, i32
  }
  func.func @transform_1(%arg0: i32) -> (i32, i32, i32) {
    %c0_i32 = arith.constant 0 : i32
    %c0_i32_0 = arith.constant 0 : i32
    %c0_i32_1 = arith.constant 0 : i32
    %c0_i32_2 = arith.constant 0 : i32
    return %c0_i32, %c0_i32_0, %c0_i32_1 : i32, i32, i32
  }
  func.func @transform_2(%arg0: i32) -> (i32, i32) {
    %c0_i32 = arith.constant 0 : i32
    %c0_i32_0 = arith.constant 0 : i32
    %c0_i32_1 = arith.constant 0 : i32
    return %c0_i32, %c0_i32_0 : i32, i32
  }
  func.func @transform_3(%arg0: i32) -> (i32, i32, i32, i32) {
    %c0_i32 = arith.constant 0 : i32
    %c0_i32_0 = arith.constant 0 : i32
    %c0_i32_1 = arith.constant 0 : i32
    %c0_i32_2 = arith.constant 0 : i32
    return %arg0, %c0_i32, %c0_i32_0, %c0_i32_1 : i32, i32, i32, i32
  }
}

module attributes {stable_mosaic.version = 14 : i64} {
  func.func @_dec_body(%arg0: i32, %arg1: memref<1x13110x32xbf16, #tpu.memory_space<vmem>>, %arg2: memref<9x32x4xbf16, #tpu.memory_space<vmem>>, %arg3: memref<1x4xf32, #tpu.memory_space<vmem>>, %arg4: memref<1x224x224xf32, #tpu.memory_space<vmem>>) attributes {dimension_semantics = [#tpu.dimension_semantics<arbitrary>], iteration_bounds = array<i64: 16>, scalar_prefetch = 0 : i64, scratch_operands = 0 : i64, tpu.core_type = #tpu.core_type<tc>, window_params = [{transform_indices = @transform_0, window_bounds = array<i64: 1, 13110, 32>}, {pipeline_mode = #tpu.pipeline_mode<synchronous>, transform_indices = @transform_1, window_bounds = array<i64: 9, 32, 4>}, {pipeline_mode = #tpu.pipeline_mode<synchronous>, transform_indices = @transform_2, window_bounds = array<i64: 1, 4>}, {transform_indices = @transform_3, window_bounds = array<i64: 1, 224, 224>}]} {
    %get3A = arith.constant 0 : index
    %get3A_0 = arith.constant 0 : index
    %get3A_1 = arith.constant 0 : index
    %get3A_2 = vector.load %arg1[%get3A, %get3A_0, %get3A_1] : memref<1x13110x32xbf16, #tpu.memory_space<vmem>>, vector<1x12768x32xbf16>
    %get3A_3 = vector.shape_cast %get3A_2 : vector<1x12768x32xbf16> to vector<12768x32xbf16>
    %get3A_4 = arith.constant 0 : index
    %get3A_5 = arith.constant 0 : index
    %get3A_6 = arith.constant 0 : index
    %get3A_7 = vector.load %arg2[%get3A_4, %get3A_5, %get3A_6] : memref<9x32x4xbf16, #tpu.memory_space<vmem>>, vector<1x32x4xbf16>
    %get3A_8 = vector.shape_cast %get3A_7 : vector<1x32x4xbf16> to vector<32x4xbf16>
    %dot_general3A = arith.constant dense<0.000000e+00> : vector<12768x4xf32>
    %dot_general3A_9 = tpu.matmul %get3A_3, %get3A_8, %dot_general3A {dimension_numbers = #tpu.dot_dimension_numbers<[1], [0], [0], [1], [0, 0, 1, 1], [], []>, transpose_lhs_hint = false} : vector<12768x32xbf16>, vector<32x4xbf16>, vector<12768x4xf32> -> vector<12768x4xf32>
    %get3A_10 = arith.constant 0 : index
    %get3A_11 = arith.constant 1 : index
    %get3A_12 = arith.constant 0 : index
    %get3A_13 = vector.load %arg1[%get3A_10, %get3A_11, %get3A_12] : memref<1x13110x32xbf16, #tpu.memory_space<vmem>>, vector<1x12768x32xbf16>
    %get3A_14 = vector.shape_cast %get3A_13 : vector<1x12768x32xbf16> to vector<12768x32xbf16>
    %get3A_15 = arith.constant 1 : index
    %get3A_16 = arith.constant 0 : index
    %get3A_17 = arith.constant 0 : index
    %get3A_18 = vector.load %arg2[%get3A_15, %get3A_16, %get3A_17] : memref<9x32x4xbf16, #tpu.memory_space<vmem>>, vector<1x32x4xbf16>
    %get3A_19 = vector.shape_cast %get3A_18 : vector<1x32x4xbf16> to vector<32x4xbf16>
    %dot_general3A_20 = arith.constant dense<0.000000e+00> : vector<12768x4xf32>
    %dot_general3A_21 = tpu.matmul %get3A_14, %get3A_19, %dot_general3A_20 {dimension_numbers = #tpu.dot_dimension_numbers<[1], [0], [0], [1], [0, 0, 1, 1], [], []>, transpose_lhs_hint = false} : vector<12768x32xbf16>, vector<32x4xbf16>, vector<12768x4xf32> -> vector<12768x4xf32>
    %add3A = arith.addf %dot_general3A_9, %dot_general3A_21 : vector<12768x4xf32>
    %get3A_22 = arith.constant 0 : index
    %get3A_23 = arith.constant 2 : index
    %get3A_24 = arith.constant 0 : index
    %get3A_25 = vector.load %arg1[%get3A_22, %get3A_23, %get3A_24] : memref<1x13110x32xbf16, #tpu.memory_space<vmem>>, vector<1x12768x32xbf16>
    %get3A_26 = vector.shape_cast %get3A_25 : vector<1x12768x32xbf16> to vector<12768x32xbf16>
    %get3A_27 = arith.constant 2 : index
    %get3A_28 = arith.constant 0 : index
    %get3A_29 = arith.constant 0 : index
    %get3A_30 = vector.load %arg2[%get3A_27, %get3A_28, %get3A_29] : memref<9x32x4xbf16, #tpu.memory_space<vmem>>, vector<1x32x4xbf16>
    %get3A_31 = vector.shape_cast %get3A_30 : vector<1x32x4xbf16> to vector<32x4xbf16>
    %dot_general3A_32 = arith.constant dense<0.000000e+00> : vector<12768x4xf32>
    %dot_general3A_33 = tpu.matmul %get3A_26, %get3A_31, %dot_general3A_32 {dimension_numbers = #tpu.dot_dimension_numbers<[1], [0], [0], [1], [0, 0, 1, 1], [], []>, transpose_lhs_hint = false} : vector<12768x32xbf16>, vector<32x4xbf16>, vector<12768x4xf32> -> vector<12768x4xf32>
    %add3A_34 = arith.addf %add3A, %dot_general3A_33 : vector<12768x4xf32>
    %get3A_35 = arith.constant 0 : index
    %get3A_36 = arith.constant 114 : index
    %get3A_37 = arith.constant 0 : index
    %get3A_38 = vector.load %arg1[%get3A_35, %get3A_36, %get3A_37] : memref<1x13110x32xbf16, #tpu.memory_space<vmem>>, vector<1x12768x32xbf16>
    %get3A_39 = vector.shape_cast %get3A_38 : vector<1x12768x32xbf16> to vector<12768x32xbf16>
    %get3A_40 = arith.constant 3 : index
    %get3A_41 = arith.constant 0 : index
    %get3A_42 = arith.constant 0 : index
    %get3A_43 = vector.load %arg2[%get3A_40, %get3A_41, %get3A_42] : memref<9x32x4xbf16, #tpu.memory_space<vmem>>, vector<1x32x4xbf16>
    %get3A_44 = vector.shape_cast %get3A_43 : vector<1x32x4xbf16> to vector<32x4xbf16>
    %dot_general3A_45 = arith.constant dense<0.000000e+00> : vector<12768x4xf32>
    %dot_general3A_46 = tpu.matmul %get3A_39, %get3A_44, %dot_general3A_45 {dimension_numbers = #tpu.dot_dimension_numbers<[1], [0], [0], [1], [0, 0, 1, 1], [], []>, transpose_lhs_hint = false} : vector<12768x32xbf16>, vector<32x4xbf16>, vector<12768x4xf32> -> vector<12768x4xf32>
    %add3A_47 = arith.addf %add3A_34, %dot_general3A_46 : vector<12768x4xf32>
    %get3A_48 = arith.constant 0 : index
    %get3A_49 = arith.constant 115 : index
    %get3A_50 = arith.constant 0 : index
    %get3A_51 = vector.load %arg1[%get3A_48, %get3A_49, %get3A_50] : memref<1x13110x32xbf16, #tpu.memory_space<vmem>>, vector<1x12768x32xbf16>
    %get3A_52 = vector.shape_cast %get3A_51 : vector<1x12768x32xbf16> to vector<12768x32xbf16>
    %get3A_53 = arith.constant 4 : index
    %get3A_54 = arith.constant 0 : index
    %get3A_55 = arith.constant 0 : index
    %get3A_56 = vector.load %arg2[%get3A_53, %get3A_54, %get3A_55] : memref<9x32x4xbf16, #tpu.memory_space<vmem>>, vector<1x32x4xbf16>
    %get3A_57 = vector.shape_cast %get3A_56 : vector<1x32x4xbf16> to vector<32x4xbf16>
    %dot_general3A_58 = arith.constant dense<0.000000e+00> : vector<12768x4xf32>
    %dot_general3A_59 = tpu.matmul %get3A_52, %get3A_57, %dot_general3A_58 {dimension_numbers = #tpu.dot_dimension_numbers<[1], [0], [0], [1], [0, 0, 1, 1], [], []>, transpose_lhs_hint = false} : vector<12768x32xbf16>, vector<32x4xbf16>, vector<12768x4xf32> -> vector<12768x4xf32>
    %add3A_60 = arith.addf %add3A_47, %dot_general3A_59 : vector<12768x4xf32>
    %get3A_61 = arith.constant 0 : index
    %get3A_62 = arith.constant 116 : index
    %get3A_63 = arith.constant 0 : index
    %get3A_64 = vector.load %arg1[%get3A_61, %get3A_62, %get3A_63] : memref<1x13110x32xbf16, #tpu.memory_space<vmem>>, vector<1x12768x32xbf16>
    %get3A_65 = vector.shape_cast %get3A_64 : vector<1x12768x32xbf16> to vector<12768x32xbf16>
    %get3A_66 = arith.constant 5 : index
    %get3A_67 = arith.constant 0 : index
    %get3A_68 = arith.constant 0 : index
    %get3A_69 = vector.load %arg2[%get3A_66, %get3A_67, %get3A_68] : memref<9x32x4xbf16, #tpu.memory_space<vmem>>, vector<1x32x4xbf16>
    %get3A_70 = vector.shape_cast %get3A_69 : vector<1x32x4xbf16> to vector<32x4xbf16>
    %dot_general3A_71 = arith.constant dense<0.000000e+00> : vector<12768x4xf32>
    %dot_general3A_72 = tpu.matmul %get3A_65, %get3A_70, %dot_general3A_71 {dimension_numbers = #tpu.dot_dimension_numbers<[1], [0], [0], [1], [0, 0, 1, 1], [], []>, transpose_lhs_hint = false} : vector<12768x32xbf16>, vector<32x4xbf16>, vector<12768x4xf32> -> vector<12768x4xf32>
    %add3A_73 = arith.addf %add3A_60, %dot_general3A_72 : vector<12768x4xf32>
    %get3A_74 = arith.constant 0 : index
    %get3A_75 = arith.constant 228 : index
    %get3A_76 = arith.constant 0 : index
    %get3A_77 = vector.load %arg1[%get3A_74, %get3A_75, %get3A_76] : memref<1x13110x32xbf16, #tpu.memory_space<vmem>>, vector<1x12768x32xbf16>
    %get3A_78 = vector.shape_cast %get3A_77 : vector<1x12768x32xbf16> to vector<12768x32xbf16>
    %get3A_79 = arith.constant 6 : index
    %get3A_80 = arith.constant 0 : index
    %get3A_81 = arith.constant 0 : index
    %get3A_82 = vector.load %arg2[%get3A_79, %get3A_80, %get3A_81] : memref<9x32x4xbf16, #tpu.memory_space<vmem>>, vector<1x32x4xbf16>
    %get3A_83 = vector.shape_cast %get3A_82 : vector<1x32x4xbf16> to vector<32x4xbf16>
    %dot_general3A_84 = arith.constant dense<0.000000e+00> : vector<12768x4xf32>
    %dot_general3A_85 = tpu.matmul %get3A_78, %get3A_83, %dot_general3A_84 {dimension_numbers = #tpu.dot_dimension_numbers<[1], [0], [0], [1], [0, 0, 1, 1], [], []>, transpose_lhs_hint = false} : vector<12768x32xbf16>, vector<32x4xbf16>, vector<12768x4xf32> -> vector<12768x4xf32>
    %add3A_86 = arith.addf %add3A_73, %dot_general3A_85 : vector<12768x4xf32>
    %get3A_87 = arith.constant 0 : index
    %get3A_88 = arith.constant 229 : index
    %get3A_89 = arith.constant 0 : index
    %get3A_90 = vector.load %arg1[%get3A_87, %get3A_88, %get3A_89] : memref<1x13110x32xbf16, #tpu.memory_space<vmem>>, vector<1x12768x32xbf16>
    %get3A_91 = vector.shape_cast %get3A_90 : vector<1x12768x32xbf16> to vector<12768x32xbf16>
    %get3A_92 = arith.constant 7 : index
    %get3A_93 = arith.constant 0 : index
    %get3A_94 = arith.constant 0 : index
    %get3A_95 = vector.load %arg2[%get3A_92, %get3A_93, %get3A_94] : memref<9x32x4xbf16, #tpu.memory_space<vmem>>, vector<1x32x4xbf16>
    %get3A_96 = vector.shape_cast %get3A_95 : vector<1x32x4xbf16> to vector<32x4xbf16>
    %dot_general3A_97 = arith.constant dense<0.000000e+00> : vector<12768x4xf32>
    %dot_general3A_98 = tpu.matmul %get3A_91, %get3A_96, %dot_general3A_97 {dimension_numbers = #tpu.dot_dimension_numbers<[1], [0], [0], [1], [0, 0, 1, 1], [], []>, transpose_lhs_hint = false} : vector<12768x32xbf16>, vector<32x4xbf16>, vector<12768x4xf32> -> vector<12768x4xf32>
    %add3A_99 = arith.addf %add3A_86, %dot_general3A_98 : vector<12768x4xf32>
    %get3A_100 = arith.constant 0 : index
    %get3A_101 = arith.constant 230 : index
    %get3A_102 = arith.constant 0 : index
    %get3A_103 = vector.load %arg1[%get3A_100, %get3A_101, %get3A_102] : memref<1x13110x32xbf16, #tpu.memory_space<vmem>>, vector<1x12768x32xbf16>
    %get3A_104 = vector.shape_cast %get3A_103 : vector<1x12768x32xbf16> to vector<12768x32xbf16>
    %get3A_105 = arith.constant 8 : index
    %get3A_106 = arith.constant 0 : index
    %get3A_107 = arith.constant 0 : index
    %get3A_108 = vector.load %arg2[%get3A_105, %get3A_106, %get3A_107] : memref<9x32x4xbf16, #tpu.memory_space<vmem>>, vector<1x32x4xbf16>
    %get3A_109 = vector.shape_cast %get3A_108 : vector<1x32x4xbf16> to vector<32x4xbf16>
    %dot_general3A_110 = arith.constant dense<0.000000e+00> : vector<12768x4xf32>
    %dot_general3A_111 = tpu.matmul %get3A_104, %get3A_109, %dot_general3A_110 {dimension_numbers = #tpu.dot_dimension_numbers<[1], [0], [0], [1], [0, 0, 1, 1], [], []>, transpose_lhs_hint = false} : vector<12768x32xbf16>, vector<32x4xbf16>, vector<12768x4xf32> -> vector<12768x4xf32>
    %add3A_112 = arith.addf %add3A_99, %dot_general3A_111 : vector<12768x4xf32>
    %get3A_113 = arith.constant 0 : index
    %get3A_114 = arith.constant 0 : index
    %get3A_115 = vector.load %arg3[%get3A_113, %get3A_114] : memref<1x4xf32, #tpu.memory_space<vmem>>, vector<1x4xf32>
    %add3A_116 = vector.broadcast %get3A_115 : vector<1x4xf32> to vector<12768x4xf32>
    %add3A_117 = arith.addf %add3A_112, %add3A_116 : vector<12768x4xf32>
    %logistic3A = arith.negf %add3A_117 : vector<12768x4xf32>
    %logistic3A_118 = math.exp %logistic3A : vector<12768x4xf32>
    %logistic3A_119 = arith.constant 1.000000e+00 : f32
    %logistic3A_120 = vector.broadcast %logistic3A_119 : f32 to vector<12768x4xf32>
    %logistic3A_121 = arith.addf %logistic3A_120, %logistic3A_118 : vector<12768x4xf32>
    %logistic3A_122 = arith.divf %logistic3A_120, %logistic3A_121 : vector<12768x4xf32>
    %reshape3A = vector.shape_cast %logistic3A_122 : vector<12768x4xf32> to vector<112x114x2x2xf32>
    %transpose3A = tpu.transpose %reshape3A, [0, 2, 1, 3] : vector<112x114x2x2xf32> -> vector<112x2x114x2xf32>
    %reshape3A_123 = vector.shape_cast %transpose3A : vector<112x2x114x2xf32> to vector<224x228xf32>
    %slice3A = vector.extract_strided_slice %reshape3A_123 {offsets = [0, 0], sizes = [224, 224], strides = [1, 1]} : vector<224x228xf32> to vector<224x224xf32>
    %swap3A = arith.constant 0 : index
    %swap3A_124 = arith.constant 0 : index
    %swap3A_125 = arith.constant 0 : index
    %swap3A_126 = vector.load %arg4[%swap3A, %swap3A_124, %swap3A_125] : memref<1x224x224xf32, #tpu.memory_space<vmem>>, vector<1x224x224xf32>
    %swap3A_127 = vector.shape_cast %swap3A_126 : vector<1x224x224xf32> to vector<224x224xf32>
    %swap3A_128 = vector.shape_cast %slice3A : vector<224x224xf32> to vector<1x224x224xf32>
    tpu.vector_store %arg4[%swap3A, %swap3A_124, %swap3A_125], %swap3A_128 {strides = array<i32>} : memref<1x224x224xf32, #tpu.memory_space<vmem>>, vector<1x224x224xf32>,
    return
  }
  func.func @transform_0(%arg0: i32) -> (i32, i32, i32) {
    %c0_i32 = arith.constant 0 : i32
    %c0_i32_0 = arith.constant 0 : i32
    %c0_i32_1 = arith.constant 0 : i32
    return %arg0, %c0_i32, %c0_i32_0 : i32, i32, i32
  }
  func.func @transform_1(%arg0: i32) -> (i32, i32, i32) {
    %c0_i32 = arith.constant 0 : i32
    %c0_i32_0 = arith.constant 0 : i32
    %c0_i32_1 = arith.constant 0 : i32
    %c0_i32_2 = arith.constant 0 : i32
    return %c0_i32, %c0_i32_0, %c0_i32_1 : i32, i32, i32
  }
  func.func @transform_2(%arg0: i32) -> (i32, i32) {
    %c0_i32 = arith.constant 0 : i32
    %c0_i32_0 = arith.constant 0 : i32
    %c0_i32_1 = arith.constant 0 : i32
    return %c0_i32, %c0_i32_0 : i32, i32
  }
  func.func @transform_3(%arg0: i32) -> (i32, i32, i32) {
    %c0_i32 = arith.constant 0 : i32
    %c0_i32_0 = arith.constant 0 : i32
    %c0_i32_1 = arith.constant 0 : i32
    return %arg0, %c0_i32, %c0_i32_0 : i32, i32, i32
  }
}

</mosaic_0001>

<sc_bundles>
// kernel: kernel.13.cloned.1.call-start
scs
__scs_entry_jumppad:
0x0: {  	(pc) =	sbr.rel $0x88, $3  }
0x1: {  	(tag) =	ssettag $0x0;
	lr =	simm.s32 $0x1  }
0x2: {  	[smem:$0x3F8F] =	sst lr;
	_ =	strace $0xD0000000  }
0x3: {  	_ = 	snop  }
0x4: {  	_ = 	snop  }
0x5: {  	_ = 	snop  }
0x6: {  	_ = 	snop  }
0x7: {  	_ = 	snop  }
__scs_overlays_trampoline_lowered:
0x8: {  	[smem:$0x3F9E] =	sst s0  }
0x9: {  	[smem:$0x3F9F] =	sst s1  }
0xa: {  	[smem:$0x3FA0] =	sst s2  }
0xb: {  	[smem:$0x3FA1] =	sst s3  }
0xc: {  	[smem:$0x3FA2] =	sst s4  }
0xd: {  	[smem:$0x3FA3] =	sst s5  }
0xe: {  	[smem:$0x3FA4] =	sst s6  }
0xf: {  	[smem:$0x3FA5] =	sst s7  }
0x10: {  	[smem:$0x3FA6] =	sst s8  }
0x11: {  	[smem:$0x3FA7] =	sst s9;
	s0 =	simm.s32 @!p0 $0x0  }
0x12: {  	s1 =	sld [smem:$0x3F8D];
	s0 =	simm.s32 @p0 $0x1  }
0x13: {  	[smem:$0x3FA8] =	sst s0;
	s0 =	simm.s32 @!p1 $0x0  }
0x14: {  	s2 =	sld [smem:$0x3F8C];
	s0 =	simm.s32 @p1 $0x1  }
0x15: {  	[smem:$0x3FA9] =	sst s0;
	s0 =	simm.s32 @!p2 $0x0  }
0x16: {  	s3 =	sld [smem:$0x3FDB];
	s0 =	simm.s32 @p2 $0x1  }
0x17: {  	s4 =	simm.s32 $0x1BF5;
	[smem:$0x3FAB] =	sst s0  }
0x18: {  	s0 =	sld [smem:$0x3F8E];
	_ =	swait.ge [sflag:s4], $0x0  }
0x19: {  	s7 =	sld [smem:$0x3F8F]  }
0x1a: {  	s8 =	sadd.s32 $0xFFFFE003, lr  }
0x1b: {  	s9 =	sadd.s32 $0xFFFFFEF7, lr;
	s5 =	simm.s32 $0xFFFFFFFF;
	p2 =	slt.u32 s8, $0xFFFFF086  }
0x1c: {  	p1 =	slt.u32 s9, $0xF7A;
	s5 =	simm.s32 @!p2 $0x0  }
0x1d: {  	s5 =	simm.s32 @p1 $0x1;
	p0 =	seq.s32 s7, s2  }
0x1e: {  	s7 =	smul.u32 @!p0 $0xF7A, s2;
	p2 =	seq.s32 @!p0 s5, $0x0  }
0x1f: {  	s9 =	smul.u32 $0xF7A, s1;
	s8 =	simm.s32 @!p0 $0x1BF5;
	p2 =	por !p2, p0  }
0x20: {  	[sflag:s8] =	ssyncset.s32 @!p0 $0xFFFFF086;
	s6 =	sadd.s32 @!p0 s3, s7;
	s7 =	simm.s32 @!p0 $0x108  }
0x21: {  	s3 =	sadd.s32 s3, s9;
	s6 =	sadd.s32 @!p0 $0x88, s6;
	s7 =	simm.s32 @p2 $0x1082  }
0x22: {  	[simem:s7], [sflag:s8] =	dma.local @!p0 [hbm:s6], $0xF7A  }
0x23: {  	s9 =	sor.u32 $0xD0000000, s2;
	s6 =	simm.s32 $0x108;
	_ =	swait.ge @!p0 [sflag:s8], $0x0  }
0x24: {  	s3 =	sadd.s32 $0x88, s3;
	s6 =	simm.s32 @!p1 $0x1082;
	[sflag:s4] =	ssyncset.s32 $0xFFFFF086  }
0x25: {  	[simem:s6], [sflag:s4] =	dma.local [hbm:s3], $0xF7A  }
0x26: {  	[smem:$0x3F8F] =	sst s1;
	(tag) =	ssettag s2;
	_ =	strace s9  }
0x27: {  	s1 =	sld [smem:$0x3F9F]  }
0x28: {  	s2 =	sld [smem:$0x3FA0]  }
0x29: {  	s4 =	sld [smem:$0x3FA2]  }
0x2a: {  	p0 =	seq.s32 s5, $0x0;
	s5 =	sld [smem:$0x3FA3]  }
0x2b: {  	s6 =	sld [smem:$0x3FA4]  }
0x2c: {  	s7 =	sld [smem:$0x3FA5]  }
0x2d: {  	s3 =	simm.s32 $0x108;
	s8 =	sld [smem:$0x3FA6]  }
0x2e: {  	s3 =	simm.s32 @!p0 $0x1082;
	s9 =	sld [smem:$0x3FA7]  }
0x2f: {  	lr =	sadd.s32 s0, s3;
	s0 =	sld [smem:$0x3F9E]  }
0x30: {  	s3 =	sld [smem:$0x3FA1]  }
0x31: {  	[smem:$0x3FAA] =	sst s10  }
0x32: {  	s10 =	sld [smem:$0x3FA8];
	_ =	sdelay $0x3  }
0x33: {  	p0 =	seq.s32 s10, $0x1;
	s10 =	sld [smem:$0x3FAA];
	_ =	sdelay $0x3  }
0x34: {  	[smem:$0x3FAA] =	sst s10  }
0x35: {  	s10 =	sld [smem:$0x3FA9];
	_ =	sdelay $0x3  }
0x36: {  	p1 =	seq.s32 s10, $0x1;
	s10 =	sld [smem:$0x3FAA];
	_ =	sdelay $0x3  }
0x37: {  	[smem:$0x3FAA] =	sst s10  }
0x38: {  	s10 =	sld [smem:$0x3FAB]  }
0x39: {  	_ = 	snop;
	(pc) =	sbr.ind lr, $3  }
0x3a: {  	_ = 	snop  }
0x3b: {  	_ = 	snop  }
0x3c: {  	p2 =	seq.s32 s10, $0x1;
	s10 =	sld [smem:$0x3FAA]  }
0x3d: {  	_ =	shalt  }
0x3e: {  	_ =	shalt  }
0x3f: {  	_ =	shalt  }
0x40: {  	_ =	shalt  }
0x41: {  	_ =	shalt  }
0x42: {  	_ =	shalt  }
0x43: {  	_ =	shalt  }
0x44: {  	_ =	shalt  }
0x45: {  	_ =	shalt  }
0x46: {  	_ =	shalt  }
0x47: {  	_ =	shalt  }
0x48: {  	_ =	shalt  }
0x49: {  	_ =	shalt  }
0x4a: {  	_ =	shalt  }
0x4b: {  	_ =	shalt  }
0x4c: {  	_ =	shalt  }
0x4d: {  	_ =	shalt  }
0x4e: {  	_ =	shalt  }
0x4f: {  	_ =	shalt  }
0x50: {  	_ =	shalt  }
0x51: {  	_ =	shalt  }
0x52: {  	_ =	shalt  }
0x53: {  	_ =	shalt  }
0x54: {  	_ =	shalt  }
0x55: {  	_ =	shalt  }
0x56: {  	_ =	shalt  }
0x57: {  	_ =	shalt  }
0x58: {  	_ =	shalt  }
0x59: {  	_ =	shalt  }
0x5a: {  	_ =	shalt  }
0x5b: {  	_ =	shalt  }
0x5c: {  	_ =	shalt  }
0x5d: {  	_ =	shalt  }
0x5e: {  	_ =	shalt  }
0x5f: {  	_ =	shalt  }
0x60: {  	_ =	shalt  }
0x61: {  	_ =	shalt  }
0x62: {  	_ =	shalt  }
0x63: {  	_ =	shalt  }
0x64: {  	_ =	shalt  }
0x65: {  	_ =	shalt  }
0x66: {  	_ =	shalt  }
0x67: {  	_ =	shalt  }
0x68: {  	_ =	shalt  }
0x69: {  	_ =	shalt  }
0x6a: {  	_ =	shalt  }
0x6b: {  	_ =	shalt  }
0x6c: {  	_ =	shalt  }
0x6d: {  	_ =	shalt  }
0x6e: {  	_ =	shalt  }
0x6f: {  	_ =	shalt  }
0x70: {  	_ =	shalt  }
0x71: {  	_ =	shalt  }
0x72: {  	_ =	shalt  }
0x73: {  	_ =	shalt  }
0x74: {  	_ =	shalt  }
0x75: {  	_ =	shalt  }
0x76: {  	_ =	shalt  }
0x77: {  	_ =	shalt  }
0x78: {  	_ =	shalt  }
0x79: {  	_ =	shalt  }
0x7a: {  	_ =	shalt  }
0x7b: {  	_ =	shalt  }
0x7c: {  	_ =	shalt  }
0x7d: {  	_ =	shalt  }
0x7e: {  	_ =	shalt  }
0x7f: {  	_ =	shalt  }
0x80: {  	_ =	shalt  }
0x81: {  	_ =	shalt  }
0x82: {  	_ =	shalt  }
0x83: {  	_ =	shalt  }
0x84: {  	_ =	shalt  }
0x85: {  	_ =	shalt  }
0x86: {  	_ =	shalt  }
0x87: {  	_ =	shalt  }
.Lfunc_end0:
.L_simem_size_0:
called_computation_lowered:
.L_overlay_start_0:
0x88: {  	s2 =	sld [smem:$0x3FD9]  }
0x89: {  	s3 =	sld [smem:$0x3FFE];
	_ =	sdelay $0x1  }
0x8a: {  	s1 =	srdreg.scid  }
0x8b: {  	s0 =	sand.u32 $0x1, s1  }
0x8c: {  	s14 =	sshll.u32 s0, $0xA;
	s2 =	sadd.s32 s3, s2  }
0x8d: {  	s2 =	sadd.s32 s2, s14  }
0x8e: {  	[smem:$0x3FB6] =	sst s2  }
0x8f: {  	_ = 	snop  }
0x90: {  	s2 =	sld [smem:$0x3FD0];
	_ =	sdelay $0x2  }
0x91: {  	s4 =	simm.s32 $0xA;
	s5 =	simm.s32 $0x10;
	s15 =	sld [smem:$0x3FC0]  }
0x92: {  	[smem:s5], [sflag:s4] =	dma.local [hbm:s2], $0x1  }
0x93: {  	_ =	swait.eq [sflag:s4], $0x1  }
0x94: {  	[sflag:s4] =	ssyncset.done $0x0  }
0x95: {  	[sflag:s4] =	ssyncadd.s32 $0xFFFFFFFF  }
0x96: {  	s16 =	sld [smem:$0x10];
	(tm) =	ssettm $0x1  }
0x97: {  	s17 =	sld [smem:$0x3FFB];
	_ =	sdelay $0x3  }
0x98: {  	_ =	strace s17  }
0x99: {  	s4 =	sld [smem:$0x3FFC];
	_ =	sdelay $0x3  }
0x9a: {  	_ =	strace s4  }
0x9b: {  	s4 =	sld [smem:$0x3FFD];
	_ =	sdelay $0x3  }
0x9c: {  	_ =	strace s4  }
0x9d: {  	_ =	strace $0x8FFFFFFF  }
0x9e: {  	s18 =	sld [smem:$0x3FDB];
	_ =	sdelay $0x1  }
0x9f: {  	s19 =	simm.s32 $_scs_section_size  }
0xa0: {  	s6 =	simm.s32 $_size__tile_overlayer_lowered;
	s7 =	simm.s32 $_tile_overlayer_lowered  }
0xa1: {  	s22 =	simm.s32 $0x1BFF;
	s21 =	sshll.u32 s7, $0x1;
	s4 =	sadd.s32 s19, s18  }
0xa2: {  	s8 =	simm.s32 $0x0;
	s20 =	sshll.u32 s6, $0x1;
	s6 =	sadd.s32 s21, s4  }
0xa3: {  	[timem:s8], [sflag:s22] =	dma.local [hbm:s6], s20  }
0xa4: {  	_ =	swait.ge [sflag:s22], s20  }
0xa5: {  	s5 =	ssub.s32 $0x0, s20;
	[sflag:s22] =	ssyncset.done $0x0  }
0xa6: {  	[sflag:s22] =	ssyncadd.s32 s5;
	_ =	sdelay $0x1  }
0xa7: {  	s23 =	simm.s32 $0x1B8B  }
0xa8: {  	_ =	swait.ge [sflag:s23], $0x1  }
0xa9: {  	[sflag:s23] =	ssyncset.done $0x0  }
0xaa: {  	s25 =	simm.s32 $0x1B8E;
	s24 =	sld [smem:$0x3FFE];
	[sflag:s23] =	ssyncadd.s32 $0xFFFFFFFF  }
0xab: {  	s26 =	simm.s32 $execute0_lowered;
	[smem:$0x3FD2] =	sst s25  }
0xac: {  	s6 =	sshll.u32 s26, $0x1;
	_ =	strace $0x80000046;
	[dreg:$0x1] =	wrdreg $0xFFFFFFFF  }
0xad: {  	s28 =	simm.s32 $_size_execute0_lowered;
	s4 =	sadd.s32 s4, s6;
	[dreg:$0x0] =	wrdreg $0x0  }
0xae: {  	s6 =	sshll.u32 s28, $0x1;
	[dreg:$0x2] =	wrdreg s4  }
0xaf: {  	[dreg:$0x3] =	wrdreg s6  }
0xb0: {  	[dreg:$0x4] =	wrdreg $0xC0  }
0xb1: {  	_ =	task [dreg:s8], $0x5FFFF  }
0xb2: {  	[dreg:$0x1] =	wrdreg $0xFFFFFFFF  }
0xb3: {  	[dreg:$0x0] =	wrdreg $0x60  }
0xb4: {  	[dreg:$0x2] =	wrdreg s15  }
0xb5: {  	[dreg:$0x3] =	wrdreg s24  }
0xb6: {  	[dreg:$0x4] =	wrdreg s16  }
0xb7: {  	[dreg:$0x5] =	wrdreg $0x9  }
0xb8: {  	_ =	task.clear_ibuf [dreg:s8], $0x6FFFF;
	_ =	strace $0x90000046  }
0xb9: {  	s29 =	simm.s32 $0x9;
	_ =	strace $0x80000048  }
0xba: {  	_ =	swait.ge [sflag:s29], $0x1  }
0xbb: {  	[sflag:s29] =	ssyncadd.s32 $0xFFFFFFFF  }
0xbc: {  	_ =	strace $0x90000048  }
0xbd: {  	_ =	sfence  }
0xbe: {  	s30 =	sld [smem:$0x0];
	_ =	sdelay $0x2  }
0xbf: {  	s31 =	sshll.u32 s1, $0xD;
	s1 =	sshrl.u32 s1, $0x2  }
0xc0: {  	s3 =	sand.u32 $0x4000, s31;
	s1 =	sadd.s32 s1, s30  }
0xc1: {  	s0 =	sor.u32 s3, s0;
	s1 =	sshll.u32 s1, $0x11  }
0xc2: {  	s0 =	sor.u32 s1, s0  }
0xc3: {  	s0 =	sadd.s32 $0x8F2B, s0  }
0xc4: {  	[sflag:s0] =	ssyncadd.remote.s32 $0x1  }
0xc5: {  	_ =	sfence.sel $0xFFFF  }
0xc6: {  	[dreg:$0x0] =	wrdreg $0xFFFFFFFF;
	(pc) =	sbr.abs _section_cstart, $3  }
0xc7: {  	[dreg:$0x1] =	wrdreg $0xFFFFFFFF  }
0xc8: {  	_ =	task.clear_ibuf [dreg:s8], $0x2FFFF;
	_ =	strace $0x9FFFFFFF  }
0xc9: {  	(tm) =	ssettm $0x7FFFFFFF  }
tec
execute0_lowered:
.L_overlay_start_1:
0x0: {  	(tag) =	ssettag $0x1  }
0x1: {  	s1 =	rddreg [dreg:$0x0]  }
0x2: {  	s4 =	rddreg [dreg:$0x1];
	s2 =	srdreg.scid  }
0x3: {  	s0 =	stileid.u32;
	s5 =	rddreg [dreg:$0x2];
	s10 =	simm.s32 $0x1080  }
0x4: {  	s11 =	simm.s32 $0x1880;
	s12 =	simm.s32 $0x2080;
	s13 =	simm.s32 $0x2880  }
0x5: {  	s14 =	simm.s32 $0x3080;
	s15 =	simm.s32 $0x3880;
	s16 =	simm.s32 $0x4080  }
0x6: {  	s17 =	simm.s32 $0x4880;
	s18 =	simm.s32 $0x5080;
	s19 =	simm.s32 $0x5880  }
0x7: {  	s20 =	simm.s32 $0x6080;
	s6 =	sand.u32 $0x1, s2;
	s3 =	sshll.u32 s0, $0x1  }
0x8: {  	s21 =	simm.s32 $0x1;
	s2 =	rddreg [dreg:$0x3];
	s7 =	sor.u32 s6, s3  }
0x9: {  	s3 =	simm.s32 $0x0;
	s6 =	ssub.s32 $0x2, s6;
	s8 =	smul.u32 $0xD, s7  }
0xa: {  	[smem:$0x7FF] =	sst s3;
	s9 =	sshrl.u32 s6, $0x1;
	s7 =	smul.u32 $0xD00, s7  }
0xb: {  	v2 =	vlaneseq.u32;
	_ =	strace $0x80000047;
	s6 =	ssub.s32 s6, s9;
	s9 =	simm.s32 $0x880  }
0xc: {  	vm0 =	vmmov $0xffff;
	v1 =	vshrl.u32 v2, $0x3;
	s4 =	sadd.s32 s8, s4;
	s5 =	sadd.s32 s5, s7;
	s6 =	smax.u32 s6, $0x1  }
0xd: {  	v0 =	vand.u32 $0x7, v2;
	v2 =	vor.u32 $0x8, v2;
	v1 =	vmul.u32 $0x8, v1;
	s7 =	simm.s32 $0x2;
	s8 =	simm.s32 $0x80;
	s4 =	sadd.s32 $0x9800, s4  }
.LBB2_1:
0xe: {  	[tilespmem:s3], [sflag:$0x2] =	stream.linear.gather [hbm4b:s4+s3], $0x68, $0x38;
	[tilespmem:$0x6880] =	vst v63  }
0xf: {  	_ =	swait.ge [sflag:s7], $0x68  }
0x10: {  	[sflag:s7] =	ssyncset.done $0x0  }
0x11: {  	[sflag:s7] =	ssyncadd.s32 $0xFFFFFF98  }
0x12: {  	v3 =	vld [tilespmem:$0x0];
	_ =	sdelay $0x4  }
0x13: {  	v4 =	vshll.u32 v3, $0x1  }
0x14: {  	v3 =	vand.u32 $0x7, v3;
	v4 =	vand.u32 $0xFFFFFFF0, v4  }
0x15: {  	v3 =	vor.u32 v3, v4  }
0x16: {  	v4 =	vperm.xlane v3, v0;
	_ =	sdelay $0x1  }
0x17: {  	v3 =	vperm.xlane v3, v2;
	v4 =	vadd.s32 v1, v4;
	_ =	sdelay $0x1  }
0x18: {  	v3 =	vadd.s32 v1, v3;
	_ =	sdelay $0x2  }
0x19: {  	[tilespmem:s8], [sflag:$0x1] =	stream.indirect_vreg.gather [hbm4b:s1+s3], $0x80, v4, vm0, $0xb8;
	[tilespmem:$0x6880] =	vst v63  }
0x1a: {  	_ = 	snop  }
0x1b: {  	[tilespmem:s9], [sflag:$0x1] =	stream.indirect_vreg.gather [hbm4b:s1+s3], $0x80, v3, vm0, $0xb8;
	[tilespmem:$0x6880] =	vst v63  }
0x1c: {  	v3 =	vld [tilespmem:$0x10];
	_ =	sdelay $0x4  }
0x1d: {  	v58 =	vshll.u32 v3, $0x1  }
0x1e: {  	v3 =	vand.u32 $0x7, v3;
	v4 =	vand.u32 $0xFFFFFFF0, v58  }
0x1f: {  	v3 =	vor.u32 v3, v4  }
0x20: {  	v4 =	vperm.xlane v3, v0;
	_ =	sdelay $0x1  }
0x21: {  	v3 =	vperm.xlane v3, v2;
	v4 =	vadd.s32 v1, v4;
	_ =	sdelay $0x1  }
0x22: {  	v3 =	vadd.s32 v1, v3;
	_ =	sdelay $0x2  }
0x23: {  	[tilespmem:s10], [sflag:$0x1] =	stream.indirect_vreg.gather [hbm4b:s1+s3], $0x80, v4, vm0, $0xb8;
	[tilespmem:$0x6880] =	vst v63  }
0x24: {  	_ = 	snop  }
0x25: {  	[tilespmem:s11], [sflag:$0x1] =	stream.indirect_vreg.gather [hbm4b:s1+s3], $0x80, v3, vm0, $0xb8;
	[tilespmem:$0x6880] =	vst v63  }
0x26: {  	v3 =	vld [tilespmem:$0x20];
	_ =	sdelay $0x4  }
0x27: {  	v59 =	vshll.u32 v3, $0x1  }
0x28: {  	v3 =	vand.u32 $0x7, v3;
	v4 =	vand.u32 $0xFFFFFFF0, v59  }
0x29: {  	v3 =	vor.u32 v3, v4  }
0x2a: {  	v4 =	vperm.xlane v3, v0;
	_ =	sdelay $0x1  }
0x2b: {  	v3 =	vperm.xlane v3, v2;
	v4 =	vadd.s32 v1, v4;
	_ =	sdelay $0x1  }
0x2c: {  	v3 =	vadd.s32 v1, v3;
	_ =	sdelay $0x2  }
0x2d: {  	[tilespmem:s12], [sflag:$0x1] =	stream.indirect_vreg.gather [hbm4b:s1+s3], $0x80, v4, vm0, $0xb8;
	[tilespmem:$0x6880] =	vst v63  }
0x2e: {  	_ = 	snop  }
0x2f: {  	[tilespmem:s13], [sflag:$0x1] =	stream.indirect_vreg.gather [hbm4b:s1+s3], $0x80, v3, vm0, $0xb8;
	[tilespmem:$0x6880] =	vst v63  }
0x30: {  	v3 =	vld [tilespmem:$0x30];
	_ =	sdelay $0x4  }
0x31: {  	v60 =	vshll.u32 v3, $0x1  }
0x32: {  	v3 =	vand.u32 $0x7, v3;
	v4 =	vand.u32 $0xFFFFFFF0, v60  }
0x33: {  	v3 =	vor.u32 v3, v4  }
0x34: {  	v4 =	vperm.xlane v3, v0;
	_ =	sdelay $0x1  }
0x35: {  	v3 =	vperm.xlane v3, v2;
	v4 =	vadd.s32 v1, v4;
	_ =	sdelay $0x1  }
0x36: {  	v3 =	vadd.s32 v1, v3;
	_ =	sdelay $0x2  }
0x37: {  	[tilespmem:s14], [sflag:$0x1] =	stream.indirect_vreg.gather [hbm4b:s1+s3], $0x80, v4, vm0, $0xb8;
	[tilespmem:$0x6880] =	vst v63  }
0x38: {  	_ = 	snop  }
0x39: {  	[tilespmem:s15], [sflag:$0x1] =	stream.indirect_vreg.gather [hbm4b:s1+s3], $0x80, v3, vm0, $0xb8;
	[tilespmem:$0x6880] =	vst v63  }
0x3a: {  	v3 =	vld [tilespmem:$0x40];
	_ =	sdelay $0x4  }
0x3b: {  	v61 =	vshll.u32 v3, $0x1  }
0x3c: {  	v3 =	vand.u32 $0x7, v3;
	v4 =	vand.u32 $0xFFFFFFF0, v61  }
0x3d: {  	v3 =	vor.u32 v3, v4  }
0x3e: {  	v4 =	vperm.xlane v3, v0;
	_ =	sdelay $0x1  }
0x3f: {  	v3 =	vperm.xlane v3, v2;
	v4 =	vadd.s32 v1, v4;
	_ =	sdelay $0x1  }
0x40: {  	v3 =	vadd.s32 v1, v3;
	_ =	sdelay $0x2  }
0x41: {  	[tilespmem:s16], [sflag:$0x1] =	stream.indirect_vreg.gather [hbm4b:s1+s3], $0x80, v4, vm0, $0xb8;
	[tilespmem:$0x6880] =	vst v63  }
0x42: {  	_ = 	snop  }
0x43: {  	[tilespmem:s17], [sflag:$0x1] =	stream.indirect_vreg.gather [hbm4b:s1+s3], $0x80, v3, vm0, $0xb8;
	[tilespmem:$0x6880] =	vst v63  }
0x44: {  	v3 =	vld [tilespmem:$0x50];
	_ =	sdelay $0x4  }
0x45: {  	v62 =	vshll.u32 v3, $0x1  }
0x46: {  	v3 =	vand.u32 $0x7, v3;
	v4 =	vand.u32 $0xFFFFFFF0, v62  }
0x47: {  	v3 =	vor.u32 v3, v4  }
0x48: {  	v4 =	vperm.xlane v3, v0;
	_ =	sdelay $0x1  }
0x49: {  	v3 =	vperm.xlane v3, v2;
	v4 =	vadd.s32 v1, v4;
	_ =	sdelay $0x1  }
0x4a: {  	v3 =	vadd.s32 v1, v3;
	_ =	sdelay $0x2  }
0x4b: {  	[tilespmem:s18], [sflag:$0x1] =	stream.indirect_vreg.gather [hbm4b:s1+s3], $0x80, v4, vm0, $0xb8;
	[tilespmem:$0x6880] =	vst v63  }
0x4c: {  	_ = 	snop  }
0x4d: {  	[tilespmem:s19], [sflag:$0x1] =	stream.indirect_vreg.gather [hbm4b:s1+s3], $0x80, v3, vm0, $0xb8;
	[tilespmem:$0x6880] =	vst v63  }
0x4e: {  	v3 =	vld.msk [tilespmem:$0x60], $0xff;
	_ =	sdelay $0x4  }
0x4f: {  	v63 =	vshll.u32 v3, $0x1  }
0x50: {  	v3 =	vand.u32 $0x7, v3;
	v4 =	vand.u32 $0xFFFFFFF0, v63  }
0x51: {  	v3 =	vor.u32 v3, v4  }
0x52: {  	v3 =	vperm.xlane v3, v0;
	_ =	sdelay $0x1  }
0x53: {  	v3 =	vadd.s32 v1, v3;
	_ =	sdelay $0x4  }
0x54: {  	[tilespmem:s20], [sflag:$0x1] =	stream.indirect_vreg.gather [hbm4b:s1+s3], $0x80, v3, vm0, $0xb8;
	[tilespmem:$0x6880] =	vst v63  }
0x55: {  	_ =	swait.ge [sflag:s21], $0x6800  }
0x56: {  	p0 =	sne.s32 s6, $0x1;
	[sflag:s21] =	ssyncset.done $0x0  }
.Ltmp0:
0x57: {  	[sflag:s21] =	ssyncadd.s32 $0xFFFF9800;
	(pc) =	sbr.rel @p0 .LBB2_1-.Ltmp0, $4  }
0x58: {  	[hbm4b:s5+s3] =	stream.linear.scatter [tilespmem:s8], [sflag:$0x2], $0x6800, $0x38;
	[tilespmem:$0x6880] =	vst v63  }
0x59: {  	_ =	swait.ge [sflag:s7], $0x6800  }
0x5a: {  	[sflag:s7] =	ssyncset.done $0x0  }
0x5b: {  	s6 =	sadd.s32 $0xFFFFFFFF, s6;
	[sflag:s7] =	ssyncadd.s32 $0xFFFF9800  }
0x5c: {  	_ =	sfence.sel $0x180000  }
0x5d: {  	[bflag:$0x0] =	sbarrier.arrive $0xFFFF  }
0x5e: {  	p0 =	sne.s32 s0, $0x0;
	_ =	strace $0x90000047  }
0x5f: {  	s0 =	sadd.s32 @!p0 $0x100000, s2;
	[bflag:$0x2] =	sbarrier.arrive $0xFFFF  }
0x60: {  	[sflag:s0] =	ssyncadd.tile.s32 @!p0 $0x1;
	_ =	shalt  }
.Lfunc_end2:
_tile_overlayer_lowered:
.L_overlay_start_2:
0x61: {  	(tag) =	ssettag $0x2  }
0x62: {  	s0 =	rddreg [dreg:$0x0];
	s2 =	stileid.u32  }
0x63: {  	s1 =	rddreg [dreg:$0x1];
	p0 =	sne.s32 s2, $0x0  }
0x64: {  	s3 =	rddreg [dreg:$0x2];
	[bflag:$0x3] =	sbarrier.arrive $0xFFFF;
	s2 =	simm.s32 @!p0 $0x1C02  }
0x65: {  	[timem:s3], [sflag:s2] =	dma.local @!p0 [hbm:s0], s1  }
0x66: {  	s0 =	simm.s32 @!p0 $0x2  }
0x67: {  	_ =	swait.ge @!p0 [sflag:s0], s1  }
0x68: {  	s1 =	ssub.s32 @!p0 $0x0, s1;
	[sflag:s0] =	ssyncset.done @!p0 $0x0  }
0x69: {  	[sflag:s0] =	ssyncadd.s32 @!p0 s1  }
0x6a: {  	[bflag:$0x3] =	sbarrier.arrive $0xFFFF  }
0x6b: {  	_ =	shalt  }

</sc_bundles>
